<compile_context>
chip_gen: v7x
topology: tpu7x:2x2x1
jax: 0.10.2.dev20260603
libtpu: 0.0.44.dev20260713+nightly
codegen_flags: <defaults>
</compile_context>

<pallas_src>
import functools

import jax
import jax.numpy as jnp
from jax import lax
from jax.experimental import pallas as pl
from jax.experimental.pallas import tpu as pltpu
from jax.experimental.pallas import tpu_sc as plsc

N = 4096
E = 65536
K = 4096
NT = 16
EPT = E // NT
CAP = 512
LOCCAP = 2048
NSLOT = 3
ROWS = 4
SLAB = N // 32
LOG2_N = 12
VBIT = 1 << 24
CMASK = 0x00FFFFFF
ABSM = 0x7FFFFFFF
THETA_BITS = 1057791828
SH_FRAG1 = 4 * NT * 256
SH_FRAG2 = SH_FRAG1 + NT * CAP
SH_CNT = SH_FRAG2 + NT * CAP
SH_TOTAL = SH_CNT + NT * 16


def _iota16():
    return lax.iota(jnp.int32, 16)


def _popcount(mask):
    return jnp.max(jnp.cumsum(mask.astype(jnp.int32)))


def _compact_dest(off, mask, dump_base):
    inc = jnp.cumsum(mask.astype(jnp.int32))
    dest = jnp.where(mask, off + inc - 1, dump_base + _iota16())
    return dest, off + jnp.max(inc)


def _fused_body(keys_hbm, rc_hbm, adj_hbm, out_hbm,
                keys_v, rc_v, hist_v, hmerge_v, mrg_v,
                l1_v, l2_v, e1_v, e2_v, loc_v, buf_v, hist_sh,
                sin0, sin1, sin2, sin3, sout0, sout1, sout2, sout3):
    core = lax.axis_index("c")
    tile = lax.axis_index("s")
    w = core * 16 + tile
    lo = w * SLAB

    nch = SLAB // ROWS
    sins = (sin0, sin1, sin2, sin3)
    souts = (sout0, sout1, sout2, sout3)

    def _start_in(ch, slot):
        for s in range(NSLOT):
            @pl.when(slot == s)
            def _():
                pltpu.async_copy(
                    adj_hbm.at[pl.ds(lo + ch * ROWS, ROWS), :],
                    buf_v.at[pl.ds(s * ROWS, ROWS), :], sins[s])

    def _wait_in(slot):
        for s in range(NSLOT):
            @pl.when(slot == s)
            def _():
                pltpu.make_async_copy(
                    adj_hbm.at[pl.ds(0, ROWS), :],
                    buf_v.at[pl.ds(s * ROWS, ROWS), :], sins[s]).wait()

    def _start_out(ch, slot):
        for s in range(NSLOT):
            @pl.when(slot == s)
            def _():
                pltpu.async_copy(
                    buf_v.at[pl.ds(s * ROWS, ROWS), :],
                    out_hbm.at[pl.ds(lo + ch * ROWS, ROWS), :], souts[s])

    def _wait_out(slot):
        for s in range(NSLOT):
            @pl.when(slot == s)
            def _():
                pltpu.make_async_copy(
                    buf_v.at[pl.ds(s * ROWS, ROWS), :],
                    out_hbm.at[pl.ds(0, ROWS), :], souts[s]).wait()

    for p in range(NSLOT - 1):
        _start_in(p, jnp.int32(p))

    base = tile * EPT
    pltpu.sync_copy(keys_hbm.at[pl.ds(base, EPT)], keys_v)
    pltpu.sync_copy(rc_hbm.at[pl.ds(base, EPT)], rc_v)

    def _round(rnd, carry):
        t_prefix, k_rem = carry
        shift = 24 - 8 * rnd
        def _z(i, _):
            hist_v[pl.ds(i * 16, 16)] = jnp.zeros((16,), jnp.int32)
            return 0
        lax.fori_loop(0, 16, _z, 0)

        ones = jnp.ones((16,), jnp.int32)
        def _h(i, _):
            key = keys_v[pl.ds(i * 16, 16)] & ABSM
            act = jnp.where(
                rnd == 0,
                jnp.ones((16,), jnp.bool_),
                (key >> (shift + 8)) == (t_prefix >> (shift + 8)))
            b = (key >> shift) & jnp.int32(0xFF)
            b = jnp.where(act, b, 256 + _iota16())
            plsc.addupdate_scatter(hist_v, [b], ones)
            return 0
        lax.fori_loop(0, EPT // 16, _h, 0)

        pltpu.sync_copy(hist_v.at[pl.ds(0, 256)],
                        hist_sh.at[pl.ds(rnd * (NT * 256) + tile * 256,
                                         256)])
        plsc.subcore_barrier()
        pltpu.sync_copy(hist_sh.at[pl.ds(rnd * (NT * 256), NT * 256)],
                        hmerge_v)
        def _m(l, _):
            def _mt(t, acc):
                return acc + hmerge_v[pl.ds(t * 256 + l * 16, 16)]
            mrg_v[pl.ds(l * 16, 16)] = lax.fori_loop(
                0, NT, _mt, jnp.zeros((16,), jnp.int32))
            return 0
        lax.fori_loop(0, 16, _m, 0)

        def _scan(jj, sc):
            k_r, above, found, bstar = sc
            j = 15 - jj
            v = mrg_v[pl.ds(j * 16, 16)]
            sfx = lax.rev(jnp.cumsum(lax.rev(v, (0,))), (0,))
            incl = above + sfx
            tot = jnp.max(sfx)
            hit = jnp.logical_and(jnp.logical_not(found),
                                  above + tot >= k_r)
            msk = incl >= k_r
            cnt = _popcount(msk)
            lane = cnt - 1
            strictly_above = jnp.max(
                jnp.where(_iota16() == lane, incl - v, 0))
            b_hit = j * 16 + lane
            k_r2 = jnp.where(hit, k_r - strictly_above, k_r)
            bstar2 = jnp.where(hit, b_hit, bstar)
            return (k_r2, above + tot, jnp.logical_or(found, hit), bstar2)
        k_rem2, _, _, bstar = lax.fori_loop(
            0, 16, _scan,
            (k_rem, jnp.int32(0), jnp.bool_(False), jnp.int32(0)))
        return (t_prefix | (bstar << shift), k_rem2)

    t_key, m_eq = lax.fori_loop(0, 4, _round, (jnp.int32(0), jnp.int32(K)))

    b4 = t_key & jnp.int32(0xFF)
    eq_counts = plsc.load_gather(hmerge_v, [_iota16() * 256 + b4])
    prefix_before = jnp.sum(jnp.where(_iota16() < tile, eq_counts, 0))

    def _sent(i, _):
        l1_v[pl.ds(i * 16, 16)] = jnp.full((16,), -1, jnp.int32)
        l2_v[pl.ds(i * 16, 16)] = jnp.full((16,), -1, jnp.int32)
        return 0
    lax.fori_loop(0, CAP // 16, _sent, 0)

    def _emit(i, carry):
        off, eqseen = carry
        kf = keys_v[pl.ds(i * 16, 16)]
        key = kf & ABSM
        neg = kf < 0
        gt = key > t_key
        eq = key == t_key
        eqc = jnp.cumsum(eq.astype(jnp.int32))
        rank = prefix_before + eqseen + eqc - 1
        keep = jnp.logical_or(gt, jnp.logical_and(eq, rank < m_eq))
        big = key > jnp.int32(THETA_BITS)
        sig = jnp.logical_and(keep, big)
        sigp = jnp.logical_and(sig, jnp.logical_not(neg))
        vbit = sigp.astype(jnp.int32) << 24
        rc = rc_v[pl.ds(i * 16, 16)]
        e1 = rc | vbit
        e2 = (((rc & jnp.int32(N - 1)) << LOG2_N) | (rc >> LOG2_N)) | vbit
        offc = jnp.minimum(off, CAP - 16)
        dest, off2 = _compact_dest(offc, sig, CAP + 16)
        plsc.store_scatter(l1_v, [dest], e1)
        plsc.store_scatter(l2_v, [dest], e2)
        return (jnp.minimum(off2, jnp.int32(CAP)), eqseen + jnp.max(eqc))
    lax.fori_loop(0, EPT // 16, _emit, (jnp.int32(0), jnp.int32(0)))

    pltpu.sync_copy(l1_v.at[pl.ds(0, CAP)],
                    hist_sh.at[pl.ds(SH_FRAG1 + tile * CAP, CAP)])
    pltpu.sync_copy(l2_v.at[pl.ds(0, CAP)],
                    hist_sh.at[pl.ds(SH_FRAG2 + tile * CAP, CAP)])
    plsc.subcore_barrier()
    pltpu.sync_copy(hist_sh.at[pl.ds(SH_FRAG1, NT * CAP)], e1_v)
    pltpu.sync_copy(hist_sh.at[pl.ds(SH_FRAG2, NT * CAP)], e2_v)

    def _filter(eref, off0):
        def _j(j, off2):
            e = eref[pl.ds(j * 16, 16)]
            row = (e & CMASK) >> LOG2_N
            ins = jnp.logical_and(
                jnp.logical_and(row >= lo, row < lo + SLAB), e != -1)
            le = ((e & CMASK) - lo * N) | (e & VBIT)
            dest, off3 = _compact_dest(jnp.minimum(off2, LOCCAP - 16),
                                       ins, LOCCAP + 16)
            plsc.store_scatter(loc_v, [dest], le)
            return jnp.minimum(off3, jnp.int32(LOCCAP))
        return lax.fori_loop(0, NT * CAP // 16, _j, off0)

    off = _filter(e1_v, jnp.int32(0))
    off = _filter(e2_v, off)
    loc_v[pl.ds(off, 16)] = jnp.full((16,), -1, jnp.int32)
    nloc = (off + 15) // 16

    def _chunk(ch, _):
        slot = lax.rem(ch, NSLOT)
        _wait_in(slot)
        lbase = ch * ROWS * N
        def _ap(v, _2):
            le = loc_v[pl.ds(v * 16, 16)]
            rel = (le & CMASK) - lbase
            inch = jnp.logical_and(
                jnp.logical_and(rel >= 0, rel < ROWS * N), le != -1)
            vv = jnp.where((le & VBIT) != 0, jnp.float32(1.0),
                           jnp.float32(0.0))
            rr = jnp.where(inch, slot * ROWS + (rel >> LOG2_N), NSLOT * ROWS)
            cc = jnp.where(inch, rel & jnp.int32(N - 1), _iota16())
            plsc.store_scatter(buf_v, [rr, cc], vv)
            return 0
        lax.fori_loop(0, nloc, _ap, 0)
        _start_out(ch, slot)
        nslot = lax.rem(ch + NSLOT - 1, NSLOT)

        @pl.when(ch + NSLOT - 1 < nch)
        def _():
            @pl.when(ch >= 1)
            def _():
                _wait_out(nslot)
            _start_in(ch + NSLOT - 1, nslot)
        return 0
    lax.fori_loop(0, nch, _chunk, 0)
    for d in range(NSLOT):
        _wait_out(jnp.int32((nch - NSLOT + d) % NSLOT))


def kernel(adj, M, edge_pairs, top_k):
    del top_k
    mesh = plsc.VectorSubcoreMesh(core_axis_name="c", subcore_axis_name="s")

    fused = functools.partial(
        pl.kernel,
        out_type=jax.ShapeDtypeStruct((N, N), jnp.float32),
        mesh=mesh,
        compiler_params=pltpu.CompilerParams(needs_layout_passes=False),
        scratch_types=[
            pltpu.VMEM((EPT,), jnp.int32),
            pltpu.VMEM((EPT,), jnp.int32),
            pltpu.VMEM((272,), jnp.int32),
            pltpu.VMEM((NT * 256,), jnp.int32),
            pltpu.VMEM((256,), jnp.int32),
            pltpu.VMEM((CAP + 32,), jnp.int32),
            pltpu.VMEM((CAP + 32,), jnp.int32),
            pltpu.VMEM((NT * CAP,), jnp.int32),
            pltpu.VMEM((NT * CAP,), jnp.int32),
            pltpu.VMEM((LOCCAP + 32,), jnp.int32),
            pltpu.VMEM((NSLOT * ROWS + 4, N), jnp.float32),
            pltpu.VMEM_SHARED((SH_TOTAL,), jnp.int32),
            pltpu.SemaphoreType.DMA,
            pltpu.SemaphoreType.DMA,
            pltpu.SemaphoreType.DMA,
            pltpu.SemaphoreType.DMA,
            pltpu.SemaphoreType.DMA,
            pltpu.SemaphoreType.DMA,
            pltpu.SemaphoreType.DMA,
            pltpu.SemaphoreType.DMA,
        ],
    )(_fused_body)

    keys = lax.bitcast_convert_type(M, jnp.int32)
    rc = edge_pairs[:, 0] * N + edge_pairs[:, 1]
    return fused(keys, rc, adj)

# --- scband reference (transcript-rebuilt; emitter-appended) ---
"""Pipeline reference for scband-signed-mask-perturbation-58823872086694 (READ-ONLY COPY).

The authoritative reference and input builder live on the scoring server;
editing this copy changes nothing except your own understanding.
"""

import jax, jax.numpy as jnp
import numpy as np

N = 4096
E = 65536
TOP_K = 4096
TAU_PLUS = 0.5
TAU_MINUS = -0.5


def setup_inputs(seed: int = 0) -> dict:
    key = jax.random.key(seed)
    k1, k2, k3 = jax.random.split(key, 3)
    adj = jax.random.uniform(k1, (N, N), dtype=jnp.float32)
    M = jax.random.normal(k2, (E,), dtype=jnp.float32)
    edge_pairs = jax.random.randint(k3, (E, 2), 0, N).astype(jnp.int32)
    return {"adj": adj, "M": M, "edge_pairs": edge_pairs, "top_k": TOP_K}


def reference(adj, M, edge_pairs, top_k):
    # Top-k sparsification of the signed perturbation mask (keep k largest |M|)
    abs_vals = jnp.abs(M)
    _, topk_idx = jax.lax.top_k(abs_vals, TOP_K)
    keep = jnp.where(jnp.arange(TOP_K) < top_k, 1.0, 0.0).astype(M.dtype)
    sparse_mask = jnp.zeros_like(M).at[topk_idx].set(keep)
    M_k = M * sparse_mask
    # Scatter mask entries symmetrically into the dense [n, n] full mask
    rows = edge_pairs[:, 0]
    cols = edge_pairs[:, 1]
    full_mask = jnp.zeros_like(adj)
    full_mask = full_mask.at[rows, cols].set(M_k)
    full_mask = full_mask.at[cols, rows].set(M_k)
    # ste_perturbed_adj: straight-through discretization of the continuous mask
    continuous_mask = jnp.tanh(full_mask)
    discrete_decision = jnp.where(
        continuous_mask > 0.5,
        jnp.ones_like(continuous_mask),
        jnp.where(continuous_mask < -0.5, -jnp.ones_like(continuous_mask), jnp.zeros_like(continuous_mask)),
    )
    perturbed_adj_discrete = jnp.where(
        discrete_decision > 0.5,
        jnp.ones_like(adj),
        jnp.where(discrete_decision < -0.5, jnp.zeros_like(adj), adj),
    )
    perturbed_adj_discrete = jax.lax.stop_gradient(perturbed_adj_discrete)
    perturbed_adj = perturbed_adj_discrete + (continuous_mask - jax.lax.stop_gradient(continuous_mask))
    return perturbed_adj

if __name__ == "__main__":
    import jax
    _d = setup_inputs()
    print(jax.jit(kernel)(*tuple(_d.values())))

</pallas_src>

<mosaic_0001>
#map = affine_map<(d0, d1) -> (0)>
#map1 = affine_map<(d0, d1) -> (0, 0)>
module attributes {stable_mosaic.version = 14 : i64} {
  func.func @_fused_body(%arg0: i32, %arg1: i32, %arg2: memref<65536xi32, #tpu.memory_space<hbm>>, %arg3: memref<65536xi32, #tpu.memory_space<hbm>>, %arg4: memref<4096x4096xf32, #tpu.memory_space<hbm>>, %arg5: memref<4096x4096xf32, #tpu.memory_space<hbm>>, %arg6: memref<4096xi32, #tpu.memory_space<vmem>>, %arg7: memref<4096xi32, #tpu.memory_space<vmem>>, %arg8: memref<272xi32, #tpu.memory_space<vmem>>, %arg9: memref<4096xi32, #tpu.memory_space<vmem>>, %arg10: memref<256xi32, #tpu.memory_space<vmem>>, %arg11: memref<544xi32, #tpu.memory_space<vmem>>, %arg12: memref<544xi32, #tpu.memory_space<vmem>>, %arg13: memref<8192xi32, #tpu.memory_space<vmem>>, %arg14: memref<8192xi32, #tpu.memory_space<vmem>>, %arg15: memref<2080xi32, #tpu.memory_space<vmem>>, %arg16: memref<16x4096xf32, #tpu.memory_space<vmem>>, %arg17: memref<33024xi32, #tpu.memory_space<vmem_shared>>, %arg18: memref<!tpu.dma_semaphore, #tpu.memory_space<semaphore_mem>>, %arg19: memref<!tpu.dma_semaphore, #tpu.memory_space<semaphore_mem>>, %arg20: memref<!tpu.dma_semaphore, #tpu.memory_space<semaphore_mem>>, %arg21: memref<!tpu.dma_semaphore, #tpu.memory_space<semaphore_mem>>, %arg22: memref<!tpu.dma_semaphore, #tpu.memory_space<semaphore_mem>>, %arg23: memref<!tpu.dma_semaphore, #tpu.memory_space<semaphore_mem>>, %arg24: memref<!tpu.dma_semaphore, #tpu.memory_space<semaphore_mem>>, %arg25: memref<!tpu.dma_semaphore, #tpu.memory_space<semaphore_mem>>) attributes {dimension_semantics = [#tpu.dimension_semantics<core_parallel>, #tpu.dimension_semantics<subcore_parallel>], iteration_bounds = array<i64: 2, 16>, scalar_prefetch = 0 : i64, scratch_operands = 20 : i64, tpu.core_type = #tpu.core_type<sc_vector_subcore>, window_params = [{transform_indices = #map}, {transform_indices = #map}, {transform_indices = #map1}, {transform_indices = #map1}]} {
    %mul3A = arith.constant 16 : i32
    %mul3A_0 = arith.muli %arg0, %mul3A : i32
    %add3A = arith.addi %mul3A_0, %arg1 : i32
    %mul3A_1 = arith.constant 128 : i32
    %mul3A_2 = arith.muli %add3A, %mul3A_1 : i32
    %eq3A = arith.constant 0 : i32
    %eq3A_3 = arith.constant 0 : i32
    %eq3A_4 = arith.cmpi eq, %eq3A, %eq3A_3 : i32
    %convert_element_type3A = arith.extui %eq3A_4 : i1 to i32
    %cond3A = arith.constant 0 : i32
    %cond3A_5 = arith.cmpi ne, %convert_element_type3A, %cond3A : i32
    scf.if %cond3A_5 {
      %add3A_177 = arith.constant 0 : i32
      %add3A_178 = arith.addi %mul3A_2, %add3A_177 : i32
      %dma_start3A = arith.constant 0 : i32
      %dma_start3A_179 = arith.constant 0 : i32
      %dma_start3A_180 = tpu.memref_slice %arg16[%dma_start3A, %dma_start3A_179] : memref<16x4096xf32, #tpu.memory_space<vmem>> -> memref<4x4096xf32, #tpu.memory_space<vmem>>
      %dma_start3A_181 = arith.constant 0 : i32
      %dma_start3A_182 = tpu.memref_slice %arg4[%add3A_178, %dma_start3A_181] : memref<4096x4096xf32, #tpu.memory_space<hbm>> -> memref<4x4096xf32, #tpu.memory_space<hbm>>
      %dma_start3A_183 = arith.constant 0 : i32
      %dma_start3A_184 = arith.constant 0 : i32
      %dma_start3A_185 = tpu.memref_slice %arg16[%dma_start3A_183, %dma_start3A_184] : memref<16x4096xf32, #tpu.memory_space<vmem>> -> memref<4x4096xf32, #tpu.memory_space<vmem>>
      %dma_start3A_186 = arith.constant 0 : i32
      %dma_start3A_187 = tpu.memref_slice %arg4[%add3A_178, %dma_start3A_186] : memref<4096x4096xf32, #tpu.memory_space<hbm>> -> memref<4x4096xf32, #tpu.memory_space<hbm>>
      tpu.enqueue_dma source(%dma_start3A_187 : memref<4x4096xf32, #tpu.memory_space<hbm>>) target(%dma_start3A_185 : memref<4x4096xf32, #tpu.memory_space<vmem>>) target_semaphore(%arg18 : memref<!tpu.dma_semaphore, #tpu.memory_space<semaphore_mem>>)
    } else {
    }
    %eq3A_6 = arith.constant 0 : i32
    %eq3A_7 = arith.constant 1 : i32
    %eq3A_8 = arith.cmpi eq, %eq3A_6, %eq3A_7 : i32
    %convert_element_type3A_9 = arith.extui %eq3A_8 : i1 to i32
    %cond3A_10 = arith.constant 0 : i32
    %cond3A_11 = arith.cmpi ne, %convert_element_type3A_9, %cond3A_10 : i32
    scf.if %cond3A_11 {
      %add3A_177 = arith.constant 0 : i32
      %add3A_178 = arith.addi %mul3A_2, %add3A_177 : i32
      %dma_start3A = arith.constant 4 : i32
      %dma_start3A_179 = arith.constant 0 : i32
      %dma_start3A_180 = tpu.memref_slice %arg16[%dma_start3A, %dma_start3A_179] : memref<16x4096xf32, #tpu.memory_space<vmem>> -> memref<4x4096xf32, #tpu.memory_space<vmem>>
      %dma_start3A_181 = arith.constant 0 : i32
      %dma_start3A_182 = tpu.memref_slice %arg4[%add3A_178, %dma_start3A_181] : memref<4096x4096xf32, #tpu.memory_space<hbm>> -> memref<4x4096xf32, #tpu.memory_space<hbm>>
      %dma_start3A_183 = arith.constant 4 : i32
      %dma_start3A_184 = arith.constant 0 : i32
      %dma_start3A_185 = tpu.memref_slice %arg16[%dma_start3A_183, %dma_start3A_184] : memref<16x4096xf32, #tpu.memory_space<vmem>> -> memref<4x4096xf32, #tpu.memory_space<vmem>>
      %dma_start3A_186 = arith.constant 0 : i32
      %dma_start3A_187 = tpu.memref_slice %arg4[%add3A_178, %dma_start3A_186] : memref<4096x4096xf32, #tpu.memory_space<hbm>> -> memref<4x4096xf32, #tpu.memory_space<hbm>>
      tpu.enqueue_dma source(%dma_start3A_187 : memref<4x4096xf32, #tpu.memory_space<hbm>>) target(%dma_start3A_185 : memref<4x4096xf32, #tpu.memory_space<vmem>>) target_semaphore(%arg19 : memref<!tpu.dma_semaphore, #tpu.memory_space<semaphore_mem>>)
    } else {
    }
    %eq3A_12 = arith.constant 0 : i32
    %eq3A_13 = arith.constant 2 : i32
    %eq3A_14 = arith.cmpi eq, %eq3A_12, %eq3A_13 : i32
    %convert_element_type3A_15 = arith.extui %eq3A_14 : i1 to i32
    %cond3A_16 = arith.constant 0 : i32
    %cond3A_17 = arith.cmpi ne, %convert_element_type3A_15, %cond3A_16 : i32
    scf.if %cond3A_17 {
      %add3A_177 = arith.constant 0 : i32
      %add3A_178 = arith.addi %mul3A_2, %add3A_177 : i32
      %dma_start3A = arith.constant 8 : i32
      %dma_start3A_179 = arith.constant 0 : i32
      %dma_start3A_180 = tpu.memref_slice %arg16[%dma_start3A, %dma_start3A_179] : memref<16x4096xf32, #tpu.memory_space<vmem>> -> memref<4x4096xf32, #tpu.memory_space<vmem>>
      %dma_start3A_181 = arith.constant 0 : i32
      %dma_start3A_182 = tpu.memref_slice %arg4[%add3A_178, %dma_start3A_181] : memref<4096x4096xf32, #tpu.memory_space<hbm>> -> memref<4x4096xf32, #tpu.memory_space<hbm>>
      %dma_start3A_183 = arith.constant 8 : i32
      %dma_start3A_184 = arith.constant 0 : i32
      %dma_start3A_185 = tpu.memref_slice %arg16[%dma_start3A_183, %dma_start3A_184] : memref<16x4096xf32, #tpu.memory_space<vmem>> -> memref<4x4096xf32, #tpu.memory_space<vmem>>
      %dma_start3A_186 = arith.constant 0 : i32
      %dma_start3A_187 = tpu.memref_slice %arg4[%add3A_178, %dma_start3A_186] : memref<4096x4096xf32, #tpu.memory_space<hbm>> -> memref<4x4096xf32, #tpu.memory_space<hbm>>
      tpu.enqueue_dma source(%dma_start3A_187 : memref<4x4096xf32, #tpu.memory_space<hbm>>) target(%dma_start3A_185 : memref<4x4096xf32, #tpu.memory_space<vmem>>) target_semaphore(%arg20 : memref<!tpu.dma_semaphore, #tpu.memory_space<semaphore_mem>>)
    } else {
    }
    %eq3A_18 = arith.constant 1 : i32
    %eq3A_19 = arith.constant 0 : i32
    %eq3A_20 = arith.cmpi eq, %eq3A_18, %eq3A_19 : i32
    %convert_element_type3A_21 = arith.extui %eq3A_20 : i1 to i32
    %cond3A_22 = arith.constant 0 : i32
    %cond3A_23 = arith.cmpi ne, %convert_element_type3A_21, %cond3A_22 : i32
    scf.if %cond3A_23 {
      %add3A_177 = arith.constant 4 : i32
      %add3A_178 = arith.addi %mul3A_2, %add3A_177 : i32
      %dma_start3A = arith.constant 0 : i32
      %dma_start3A_179 = arith.constant 0 : i32
      %dma_start3A_180 = tpu.memref_slice %arg16[%dma_start3A, %dma_start3A_179] : memref<16x4096xf32, #tpu.memory_space<vmem>> -> memref<4x4096xf32, #tpu.memory_space<vmem>>
      %dma_start3A_181 = arith.constant 0 : i32
      %dma_start3A_182 = tpu.memref_slice %arg4[%add3A_178, %dma_start3A_181] : memref<4096x4096xf32, #tpu.memory_space<hbm>> -> memref<4x4096xf32, #tpu.memory_space<hbm>>
      %dma_start3A_183 = arith.constant 0 : i32
      %dma_start3A_184 = arith.constant 0 : i32
      %dma_start3A_185 = tpu.memref_slice %arg16[%dma_start3A_183, %dma_start3A_184] : memref<16x4096xf32, #tpu.memory_space<vmem>> -> memref<4x4096xf32, #tpu.memory_space<vmem>>
      %dma_start3A_186 = arith.constant 0 : i32
      %dma_start3A_187 = tpu.memref_slice %arg4[%add3A_178, %dma_start3A_186] : memref<4096x4096xf32, #tpu.memory_space<hbm>> -> memref<4x4096xf32, #tpu.memory_space<hbm>>
      tpu.enqueue_dma source(%dma_start3A_187 : memref<4x4096xf32, #tpu.memory_space<hbm>>) target(%dma_start3A_185 : memref<4x4096xf32, #tpu.memory_space<vmem>>) target_semaphore(%arg18 : memref<!tpu.dma_semaphore, #tpu.memory_space<semaphore_mem>>)
    } else {
    }
    %eq3A_24 = arith.constant 1 : i32
    %eq3A_25 = arith.constant 1 : i32
    %eq3A_26 = arith.cmpi eq, %eq3A_24, %eq3A_25 : i32
    %convert_element_type3A_27 = arith.extui %eq3A_26 : i1 to i32
    %cond3A_28 = arith.constant 0 : i32
    %cond3A_29 = arith.cmpi ne, %convert_element_type3A_27, %cond3A_28 : i32
    scf.if %cond3A_29 {
      %add3A_177 = arith.constant 4 : i32
      %add3A_178 = arith.addi %mul3A_2, %add3A_177 : i32
      %dma_start3A = arith.constant 4 : i32
      %dma_start3A_179 = arith.constant 0 : i32
      %dma_start3A_180 = tpu.memref_slice %arg16[%dma_start3A, %dma_start3A_179] : memref<16x4096xf32, #tpu.memory_space<vmem>> -> memref<4x4096xf32, #tpu.memory_space<vmem>>
      %dma_start3A_181 = arith.constant 0 : i32
      %dma_start3A_182 = tpu.memref_slice %arg4[%add3A_178, %dma_start3A_181] : memref<4096x4096xf32, #tpu.memory_space<hbm>> -> memref<4x4096xf32, #tpu.memory_space<hbm>>
      %dma_start3A_183 = arith.constant 4 : i32
      %dma_start3A_184 = arith.constant 0 : i32
      %dma_start3A_185 = tpu.memref_slice %arg16[%dma_start3A_183, %dma_start3A_184] : memref<16x4096xf32, #tpu.memory_space<vmem>> -> memref<4x4096xf32, #tpu.memory_space<vmem>>
      %dma_start3A_186 = arith.constant 0 : i32
      %dma_start3A_187 = tpu.memref_slice %arg4[%add3A_178, %dma_start3A_186] : memref<4096x4096xf32, #tpu.memory_space<hbm>> -> memref<4x4096xf32, #tpu.memory_space<hbm>>
      tpu.enqueue_dma source(%dma_start3A_187 : memref<4x4096xf32, #tpu.memory_space<hbm>>) target(%dma_start3A_185 : memref<4x4096xf32, #tpu.memory_space<vmem>>) target_semaphore(%arg19 : memref<!tpu.dma_semaphore, #tpu.memory_space<semaphore_mem>>)
    } else {
    }
    %eq3A_30 = arith.constant 1 : i32
    %eq3A_31 = arith.constant 2 : i32
    %eq3A_32 = arith.cmpi eq, %eq3A_30, %eq3A_31 : i32
    %convert_element_type3A_33 = arith.extui %eq3A_32 : i1 to i32
    %cond3A_34 = arith.constant 0 : i32
    %cond3A_35 = arith.cmpi ne, %convert_element_type3A_33, %cond3A_34 : i32
    scf.if %cond3A_35 {
      %add3A_177 = arith.constant 4 : i32
      %add3A_178 = arith.addi %mul3A_2, %add3A_177 : i32
      %dma_start3A = arith.constant 8 : i32
      %dma_start3A_179 = arith.constant 0 : i32
      %dma_start3A_180 = tpu.memref_slice %arg16[%dma_start3A, %dma_start3A_179] : memref<16x4096xf32, #tpu.memory_space<vmem>> -> memref<4x4096xf32, #tpu.memory_space<vmem>>
      %dma_start3A_181 = arith.constant 0 : i32
      %dma_start3A_182 = tpu.memref_slice %arg4[%add3A_178, %dma_start3A_181] : memref<4096x4096xf32, #tpu.memory_space<hbm>> -> memref<4x4096xf32, #tpu.memory_space<hbm>>
      %dma_start3A_183 = arith.constant 8 : i32
      %dma_start3A_184 = arith.constant 0 : i32
      %dma_start3A_185 = tpu.memref_slice %arg16[%dma_start3A_183, %dma_start3A_184] : memref<16x4096xf32, #tpu.memory_space<vmem>> -> memref<4x4096xf32, #tpu.memory_space<vmem>>
      %dma_start3A_186 = arith.constant 0 : i32
      %dma_start3A_187 = tpu.memref_slice %arg4[%add3A_178, %dma_start3A_186] : memref<4096x4096xf32, #tpu.memory_space<hbm>> -> memref<4x4096xf32, #tpu.memory_space<hbm>>
      tpu.enqueue_dma source(%dma_start3A_187 : memref<4x4096xf32, #tpu.memory_space<hbm>>) target(%dma_start3A_185 : memref<4x4096xf32, #tpu.memory_space<vmem>>) target_semaphore(%arg20 : memref<!tpu.dma_semaphore, #tpu.memory_space<semaphore_mem>>)
    } else {
    }
    %mul3A_36 = arith.constant 4096 : i32
    %mul3A_37 = arith.muli %arg1, %mul3A_36 : i32
    "tpu.region"() ({
      %run_scoped3A = tpu.sem_alloc : memref<!tpu.dma_semaphore, #tpu.memory_space<semaphore_mem>>
      %dma_start3A = tpu.memref_slice %arg2[%mul3A_37] : memref<65536xi32, #tpu.memory_space<hbm>> -> memref<4096xi32, #tpu.memory_space<hbm>>
      %dma_start3A_177 = tpu.memref_slice %arg2[%mul3A_37] : memref<65536xi32, #tpu.memory_space<hbm>> -> memref<4096xi32, #tpu.memory_space<hbm>>
      tpu.enqueue_dma source(%dma_start3A_177 : memref<4096xi32, #tpu.memory_space<hbm>>) target(%arg6 : memref<4096xi32, #tpu.memory_space<vmem>>) target_semaphore(%run_scoped3A : memref<!tpu.dma_semaphore, #tpu.memory_space<semaphore_mem>>)
      %dma_wait3A = tpu.memref_slice %arg2[%mul3A_37] : memref<65536xi32, #tpu.memory_space<hbm>> -> memref<4096xi32, #tpu.memory_space<hbm>>
      %dma_wait3A_178 = tpu.memref_slice %arg2[%mul3A_37] : memref<65536xi32, #tpu.memory_space<hbm>> -> memref<4096xi32, #tpu.memory_space<hbm>>
      tpu.wait_dma2 semaphore(%run_scoped3A : memref<!tpu.dma_semaphore, #tpu.memory_space<semaphore_mem>>) src(%dma_wait3A_178 : memref<4096xi32, #tpu.memory_space<hbm>>) dst(%arg6 : memref<4096xi32, #tpu.memory_space<vmem>>)
      tpu.yield
    }) : () -> ()
    "tpu.region"() ({
      %run_scoped3A = tpu.sem_alloc : memref<!tpu.dma_semaphore, #tpu.memory_space<semaphore_mem>>
      %dma_start3A = tpu.memref_slice %arg3[%mul3A_37] : memref<65536xi32, #tpu.memory_space<hbm>> -> memref<4096xi32, #tpu.memory_space<hbm>>
      %dma_start3A_177 = tpu.memref_slice %arg3[%mul3A_37] : memref<65536xi32, #tpu.memory_space<hbm>> -> memref<4096xi32, #tpu.memory_space<hbm>>
      tpu.enqueue_dma source(%dma_start3A_177 : memref<4096xi32, #tpu.memory_space<hbm>>) target(%arg7 : memref<4096xi32, #tpu.memory_space<vmem>>) target_semaphore(%run_scoped3A : memref<!tpu.dma_semaphore, #tpu.memory_space<semaphore_mem>>)
      %dma_wait3A = tpu.memref_slice %arg3[%mul3A_37] : memref<65536xi32, #tpu.memory_space<hbm>> -> memref<4096xi32, #tpu.memory_space<hbm>>
      %dma_wait3A_178 = tpu.memref_slice %arg3[%mul3A_37] : memref<65536xi32, #tpu.memory_space<hbm>> -> memref<4096xi32, #tpu.memory_space<hbm>>
      tpu.wait_dma2 semaphore(%run_scoped3A : memref<!tpu.dma_semaphore, #tpu.memory_space<semaphore_mem>>) src(%dma_wait3A_178 : memref<4096xi32, #tpu.memory_space<hbm>>) dst(%arg7 : memref<4096xi32, #tpu.memory_space<vmem>>)
      tpu.yield
    }) : () -> ()
    %scan3A = arith.constant 0 : i32
    %scan3A_38 = arith.constant 4096 : i32
    %scan3A_39 = arith.constant 0 : i32
    %scan3A_40 = arith.constant 4 : i32
    %scan3A_41 = arith.addi %scan3A_39, %scan3A_40 : i32
    %scan3A_42 = arith.constant 1 : i32
    %scan3A_43:2 = scf.for %scan3A_177 = %scan3A_39 to %scan3A_41 step %scan3A_42 iter_args(%scan3A_178 = %scan3A, %scan3A_179 = %scan3A_38) -> (i32, i32)  : i32 {
      %mul3A_180 = arith.constant 8 : i32
      %mul3A_181 = arith.muli %mul3A_180, %scan3A_177 : i32
      %sub3A_182 = arith.constant 24 : i32
      %sub3A_183 = arith.subi %sub3A_182, %mul3A_181 : i32
      %scan3A_184 = arith.constant 0 : i32
      %scan3A_185 = arith.constant 0 : i32
      %scan3A_186 = arith.constant 16 : i32
      %scan3A_187 = arith.addi %scan3A_185, %scan3A_186 : i32
      %scan3A_188 = arith.constant 1 : i32
      %scan3A_189 = scf.for %scan3A_224 = %scan3A_185 to %scan3A_187 step %scan3A_188 iter_args(%scan3A_225 = %scan3A_184) -> (i32)  : i32 {
        %broadcast_in_dim3A_226 = arith.constant 0 : i32
        %broadcast_in_dim3A_227 = vector.broadcast %broadcast_in_dim3A_226 : i32 to vector<16xi32>
        %mul3A_228 = arith.constant 16 : i32
        %mul3A_229 = arith.muli %scan3A_224, %mul3A_228 : i32
        %swap3A_230 = arith.index_cast %mul3A_229 : i32 to index
        %swap3A_231 = tpu.vector_load %arg8[%swap3A_230] {strides = array<i32>} : memref<272xi32, #tpu.memory_space<vmem>>, vector<16xi32>,
        tpu.vector_store %arg8[%swap3A_230], %broadcast_in_dim3A_227 {strides = array<i32>} : memref<272xi32, #tpu.memory_space<vmem>>, vector<16xi32>,
        %scan3A_232 = arith.constant 0 : i32
        scf.yield %scan3A_232 : i32
      }
      %scan3A_190 = arith.constant 16 : i32
      %broadcast_in_dim3A_191 = arith.constant 1 : i32
      %broadcast_in_dim3A_192 = vector.broadcast %broadcast_in_dim3A_191 : i32 to vector<16xi32>
      %scan3A_193 = arith.constant 0 : i32
      %scan3A_194 = arith.constant 0 : i32
      %scan3A_195 = arith.constant 256 : i32
      %scan3A_196 = arith.addi %scan3A_194, %scan3A_195 : i32
      %scan3A_197 = arith.constant 1 : i32
      %scan3A_198 = scf.for %scan3A_224 = %scan3A_194 to %scan3A_196 step %scan3A_197 iter_args(%scan3A_225 = %scan3A_193) -> (i32)  : i32 {
        %mul3A_226 = arith.constant 16 : i32
        %mul3A_227 = arith.muli %scan3A_224, %mul3A_226 : i32
        %get3A = arith.index_cast %mul3A_227 : i32 to index
        %get3A_228 = tpu.vector_load %arg6[%get3A] {strides = array<i32>} : memref<4096xi32, #tpu.memory_space<vmem>>, vector<16xi32>,
        %and3A_229 = arith.constant 2147483647 : i32
        %and3A_230 = vector.broadcast %and3A_229 : i32 to vector<16xi32>
        %and3A_231 = arith.andi %get3A_228, %and3A_230 : vector<16xi32>
        %eq3A_232 = arith.constant 0 : i32
        %eq3A_233 = arith.cmpi eq, %scan3A_177, %eq3A_232 : i32
        %broadcast_in_dim3A_234 = arith.constant true
        %broadcast_in_dim3A_235 = vector.broadcast %broadcast_in_dim3A_234 : i1 to vector<16xi1>
        %add3A_236 = arith.constant 8 : i32
        %add3A_237 = arith.addi %sub3A_183, %add3A_236 : i32
        %shift_right_arithmetic3A = vector.broadcast %add3A_237 : i32 to vector<16xi32>
        %shift_right_arithmetic3A_238 = arith.shrsi %and3A_231, %shift_right_arithmetic3A : vector<16xi32>
        %add3A_239 = arith.constant 8 : i32
        %add3A_240 = arith.addi %sub3A_183, %add3A_239 : i32
        %shift_right_arithmetic3A_241 = arith.shrsi %scan3A_178, %add3A_240 : i32
        %eq3A_242 = vector.broadcast %shift_right_arithmetic3A_241 : i32 to vector<16xi32>
        %eq3A_243 = arith.cmpi eq, %shift_right_arithmetic3A_238, %eq3A_242 : vector<16xi32>
        %select_n3A_244 = arith.select %eq3A_233, %broadcast_in_dim3A_235, %eq3A_243 : vector<16xi1>
        %shift_right_arithmetic3A_245 = vector.broadcast %sub3A_183 : i32 to vector<16xi32>
        %shift_right_arithmetic3A_246 = arith.shrsi %and3A_231, %shift_right_arithmetic3A_245 : vector<16xi32>
        %and3A_247 = arith.constant 255 : i32
        %and3A_248 = vector.broadcast %and3A_247 : i32 to vector<16xi32>
        %and3A_249 = arith.andi %shift_right_arithmetic3A_246, %and3A_248 : vector<16xi32>
        %iota3A_250 = tpu.iota {dimensions = array<i32: 0>} : vector<16xi32>
        %add3A_251 = arith.constant 256 : i32
        %add3A_252 = vector.broadcast %add3A_251 : i32 to vector<16xi32>
        %add3A_253 = arith.addi %add3A_252, %iota3A_250 : vector<16xi32>
        %select_n3A_254 = arith.select %select_n3A_244, %and3A_249, %add3A_253 : vector<16xi1>, vector<16xi32>
        tpu.vector_store_idx %arg8[%select_n3A_254], %broadcast_in_dim3A_192 {add = true} : memref<272xi32, #tpu.memory_space<vmem>>[vector<16xi32>], vector<16xi32>,
        %scan3A_255 = arith.constant 0 : i32
        scf.yield %scan3A_255 : i32
      }
      %scan3A_199 = arith.constant 256 : i32
      %mul3A_200 = arith.constant 4096 : i32
      %mul3A_201 = arith.muli %scan3A_177, %mul3A_200 : i32
      %mul3A_202 = arith.constant 256 : i32
      %mul3A_203 = arith.muli %arg1, %mul3A_202 : i32
      %add3A_204 = arith.addi %mul3A_201, %mul3A_203 : i32
      "tpu.region"() ({
        %run_scoped3A = tpu.sem_alloc : memref<!tpu.dma_semaphore, #tpu.memory_space<semaphore_mem>>
        %dma_start3A = arith.constant 0 : i32
        %dma_start3A_224 = tpu.memref_slice %arg8[%dma_start3A] : memref<272xi32, #tpu.memory_space<vmem>> -> memref<256xi32, #tpu.memory_space<vmem>>
        %dma_start3A_225 = tpu.memref_slice %arg17[%add3A_204] : memref<33024xi32, #tpu.memory_space<vmem_shared>> -> memref<256xi32, #tpu.memory_space<vmem_shared>>
        %dma_start3A_226 = tpu.memref_slice %arg17[%add3A_204] : memref<33024xi32, #tpu.memory_space<vmem_shared>> -> memref<256xi32, #tpu.memory_space<vmem_shared>>
        %dma_start3A_227 = arith.constant 0 : i32
        %dma_start3A_228 = tpu.memref_slice %arg8[%dma_start3A_227] : memref<272xi32, #tpu.memory_space<vmem>> -> memref<256xi32, #tpu.memory_space<vmem>>
        tpu.enqueue_dma source(%dma_start3A_228 : memref<256xi32, #tpu.memory_space<vmem>>) target(%dma_start3A_226 : memref<256xi32, #tpu.memory_space<vmem_shared>>) target_semaphore(%run_scoped3A : memref<!tpu.dma_semaphore, #tpu.memory_space<semaphore_mem>>)
        %dma_wait3A = arith.constant 0 : i32
        %dma_wait3A_229 = tpu.memref_slice %arg8[%dma_wait3A] : memref<272xi32, #tpu.memory_space<vmem>> -> memref<256xi32, #tpu.memory_space<vmem>>
        %dma_wait3A_230 = tpu.memref_slice %arg17[%add3A_204] : memref<33024xi32, #tpu.memory_space<vmem_shared>> -> memref<256xi32, #tpu.memory_space<vmem_shared>>
        %dma_wait3A_231 = tpu.memref_slice %arg17[%add3A_204] : memref<33024xi32, #tpu.memory_space<vmem_shared>> -> memref<256xi32, #tpu.memory_space<vmem_shared>>
        %dma_wait3A_232 = arith.constant 0 : i32
        %dma_wait3A_233 = tpu.memref_slice %arg8[%dma_wait3A_232] : memref<272xi32, #tpu.memory_space<vmem>> -> memref<256xi32, #tpu.memory_space<vmem>>
        tpu.wait_dma2 semaphore(%run_scoped3A : memref<!tpu.dma_semaphore, #tpu.memory_space<semaphore_mem>>) src(%dma_wait3A_233 : memref<256xi32, #tpu.memory_space<vmem>>) dst(%dma_wait3A_231 : memref<256xi32, #tpu.memory_space<vmem_shared>>)
        tpu.yield
      }) : () -> ()
      %barrier3A_205 = arith.constant 0 : index
      tpu.barrier barrier_id(%barrier3A_205)
      %mul3A_206 = arith.constant 4096 : i32
      %mul3A_207 = arith.muli %scan3A_177, %mul3A_206 : i32
      "tpu.region"() ({
        %run_scoped3A = tpu.sem_alloc : memref<!tpu.dma_semaphore, #tpu.memory_space<semaphore_mem>>
        %dma_start3A = tpu.memref_slice %arg17[%mul3A_207] : memref<33024xi32, #tpu.memory_space<vmem_shared>> -> memref<4096xi32, #tpu.memory_space<vmem_shared>>
        %dma_start3A_224 = tpu.memref_slice %arg17[%mul3A_207] : memref<33024xi32, #tpu.memory_space<vmem_shared>> -> memref<4096xi32, #tpu.memory_space<vmem_shared>>
        tpu.enqueue_dma source(%dma_start3A_224 : memref<4096xi32, #tpu.memory_space<vmem_shared>>) target(%arg9 : memref<4096xi32, #tpu.memory_space<vmem>>) target_semaphore(%run_scoped3A : memref<!tpu.dma_semaphore, #tpu.memory_space<semaphore_mem>>)
        %dma_wait3A = tpu.memref_slice %arg17[%mul3A_207] : memref<33024xi32, #tpu.memory_space<vmem_shared>> -> memref<4096xi32, #tpu.memory_space<vmem_shared>>
        %dma_wait3A_225 = tpu.memref_slice %arg17[%mul3A_207] : memref<33024xi32, #tpu.memory_space<vmem_shared>> -> memref<4096xi32, #tpu.memory_space<vmem_shared>>
        tpu.wait_dma2 semaphore(%run_scoped3A : memref<!tpu.dma_semaphore, #tpu.memory_space<semaphore_mem>>) src(%dma_wait3A_225 : memref<4096xi32, #tpu.memory_space<vmem_shared>>) dst(%arg9 : memref<4096xi32, #tpu.memory_space<vmem>>)
        tpu.yield
      }) : () -> ()
      %scan3A_208 = arith.constant 0 : i32
      %scan3A_209 = arith.constant 0 : i32
      %scan3A_210 = arith.constant 16 : i32
      %scan3A_211 = arith.addi %scan3A_209, %scan3A_210 : i32
      %scan3A_212 = arith.constant 1 : i32
      %scan3A_213 = scf.for %scan3A_224 = %scan3A_209 to %scan3A_211 step %scan3A_212 iter_args(%scan3A_225 = %scan3A_208) -> (i32)  : i32 {
        %broadcast_in_dim3A_226 = arith.constant 0 : i32
        %broadcast_in_dim3A_227 = vector.broadcast %broadcast_in_dim3A_226 : i32 to vector<16xi32>
        %scan3A_228 = arith.constant 0 : i32
        %scan3A_229 = arith.constant 16 : i32
        %scan3A_230 = arith.addi %scan3A_228, %scan3A_229 : i32
        %scan3A_231 = arith.constant 1 : i32
        %scan3A_232 = scf.for %scan3A_239 = %scan3A_228 to %scan3A_230 step %scan3A_231 iter_args(%scan3A_240 = %broadcast_in_dim3A_227) -> (vector<16xi32>)  : i32 {
          %mul3A_241 = arith.constant 256 : i32
          %mul3A_242 = arith.muli %scan3A_239, %mul3A_241 : i32
          %mul3A_243 = arith.constant 16 : i32
          %mul3A_244 = arith.muli %scan3A_224, %mul3A_243 : i32
          %add3A_245 = arith.addi %mul3A_242, %mul3A_244 : i32
          %get3A = arith.index_cast %add3A_245 : i32 to index
          %get3A_246 = tpu.vector_load %arg9[%get3A] {strides = array<i32>} : memref<4096xi32, #tpu.memory_space<vmem>>, vector<16xi32>,
          %add3A_247 = arith.addi %scan3A_240, %get3A_246 : vector<16xi32>
          scf.yield %add3A_247 : vector<16xi32>
        }
        %scan3A_233 = arith.constant 16 : i32
        %mul3A_234 = arith.constant 16 : i32
        %mul3A_235 = arith.muli %scan3A_224, %mul3A_234 : i32
        %swap3A_236 = arith.index_cast %mul3A_235 : i32 to index
        %swap3A_237 = tpu.vector_load %arg10[%swap3A_236] {strides = array<i32>} : memref<256xi32, #tpu.memory_space<vmem>>, vector<16xi32>,
        tpu.vector_store %arg10[%swap3A_236], %scan3A_232 {strides = array<i32>} : memref<256xi32, #tpu.memory_space<vmem>>, vector<16xi32>,
        %scan3A_238 = arith.constant 0 : i32
        scf.yield %scan3A_238 : i32
      }
      %scan3A_214 = arith.constant 16 : i32
      %scan3A_215 = arith.constant 0 : i32
      %scan3A_216 = arith.constant false
      %scan3A_217 = arith.constant 0 : i32
      %scan3A_218 = arith.constant 0 : i32
      %scan3A_219 = arith.constant 16 : i32
      %scan3A_220 = arith.addi %scan3A_218, %scan3A_219 : i32
      %scan3A_221 = arith.constant 1 : i32
      %scan3A_222:4 = scf.for %scan3A_224 = %scan3A_218 to %scan3A_220 step %scan3A_221 iter_args(%scan3A_225 = %scan3A_179, %scan3A_226 = %scan3A_215, %scan3A_227 = %scan3A_216, %scan3A_228 = %scan3A_217) -> (i32, i32, i1, i32)  : i32 {
        %sub3A_229 = arith.constant 15 : i32
        %sub3A_230 = arith.subi %sub3A_229, %scan3A_224 : i32
        %mul3A_231 = arith.constant 16 : i32
        %mul3A_232 = arith.muli %sub3A_230, %mul3A_231 : i32
        %get3A = arith.index_cast %mul3A_232 : i32 to index
        %get3A_233 = tpu.vector_load %arg10[%get3A] {strides = array<i32>} : memref<256xi32, #tpu.memory_space<vmem>>, vector<16xi32>,
        %rev3A = arith.constant 15 : i32
        %rev3A_234 = vector.broadcast %rev3A : i32 to vector<16xi32>
        %rev3A_235 = tpu.iota {dimensions = array<i32: 0>} : vector<16xi32>
        %rev3A_236 = arith.subi %rev3A_234, %rev3A_235 : vector<16xi32>
        %rev3A_237 = tpu.dynamic_gather %get3A_233[%rev3A_236] in [0] : vector<16xi32>, vector<16xi32> -> vector<16xi32>
        %cumsum3A = arith.constant true
        %cumsum3A_238 = vector.broadcast %cumsum3A : i1 to vector<16xi1>
        %cumsum3A_239 = tpu.scan <sum>, %rev3A_237 masked %cumsum3A_238 : vector<16xi32>, vector<16xi1> -> vector<16xi32>
        %rev3A_240 = arith.constant 15 : i32
        %rev3A_241 = vector.broadcast %rev3A_240 : i32 to vector<16xi32>
        %rev3A_242 = tpu.iota {dimensions = array<i32: 0>} : vector<16xi32>
        %rev3A_243 = arith.subi %rev3A_241, %rev3A_242 : vector<16xi32>
        %rev3A_244 = tpu.dynamic_gather %cumsum3A_239[%rev3A_243] in [0] : vector<16xi32>, vector<16xi32> -> vector<16xi32>
        %add3A_245 = vector.broadcast %scan3A_226 : i32 to vector<16xi32>
        %add3A_246 = arith.addi %add3A_245, %rev3A_244 : vector<16xi32>
        %reduce_max3A = arith.constant true
        %reduce_max3A_247 = vector.broadcast %reduce_max3A : i1 to vector<16xi1>
        %reduce_max3A_248 = arith.constant -2147483648 : i32
        %reduce_max3A_249 = vector.broadcast %reduce_max3A_248 : i32 to vector<16xi32>
        %reduce_max3A_250 = arith.xori %rev3A_244, %reduce_max3A_249 : vector<16xi32>
        %reduce_max3A_251 = tpu.scan <max>, %reduce_max3A_250 masked %reduce_max3A_247 : vector<16xi32>, vector<16xi1> -> vector<16xi32>
        %reduce_max3A_252 = arith.xori %reduce_max3A_251, %reduce_max3A_249 : vector<16xi32>
        %reduce_max3A_253 = vector.extract %reduce_max3A_252[15] : i32 from vector<16xi32>
        %not3A = arith.constant true
        %not3A_254 = arith.xori %scan3A_227, %not3A : i1
        %add3A_255 = arith.addi %scan3A_226, %reduce_max3A_253 : i32
        %ge3A = arith.cmpi sge, %add3A_255, %scan3A_225 : i32
        %and3A_256 = arith.andi %not3A_254, %ge3A : i1
        %ge3A_257 = vector.broadcast %scan3A_225 : i32 to vector<16xi32>
        %ge3A_258 = arith.cmpi sge, %add3A_246, %ge3A_257 : vector<16xi32>
        %convert_element_type3A_259 = arith.extui %ge3A_258 : vector<16xi1> to vector<16xi32>
        %cumsum3A_260 = arith.constant true
        %cumsum3A_261 = vector.broadcast %cumsum3A_260 : i1 to vector<16xi1>
        %cumsum3A_262 = tpu.scan <sum>, %convert_element_type3A_259 masked %cumsum3A_261 : vector<16xi32>, vector<16xi1> -> vector<16xi32>
        %reduce_max3A_263 = arith.constant true
        %reduce_max3A_264 = vector.broadcast %reduce_max3A_263 : i1 to vector<16xi1>
        %reduce_max3A_265 = arith.constant -2147483648 : i32
        %reduce_max3A_266 = vector.broadcast %reduce_max3A_265 : i32 to vector<16xi32>
        %reduce_max3A_267 = arith.xori %cumsum3A_262, %reduce_max3A_266 : vector<16xi32>
        %reduce_max3A_268 = tpu.scan <max>, %reduce_max3A_267 masked %reduce_max3A_264 : vector<16xi32>, vector<16xi1> -> vector<16xi32>
        %reduce_max3A_269 = arith.xori %reduce_max3A_268, %reduce_max3A_266 : vector<16xi32>
        %reduce_max3A_270 = vector.extract %reduce_max3A_269[15] : i32 from vector<16xi32>
        %sub3A_271 = arith.constant 1 : i32
        %sub3A_272 = arith.subi %reduce_max3A_270, %sub3A_271 : i32
        %iota3A_273 = tpu.iota {dimensions = array<i32: 0>} : vector<16xi32>
        %eq3A_274 = vector.broadcast %sub3A_272 : i32 to vector<16xi32>
        %eq3A_275 = arith.cmpi eq, %iota3A_273, %eq3A_274 : vector<16xi32>
        %sub3A_276 = arith.subi %add3A_246, %get3A_233 : vector<16xi32>
        %jit3A_277 = arith.constant 0 : i32
        %broadcast_in_dim3A_278 = vector.broadcast %jit3A_277 : i32 to vector<16xi32>
        %select_n3A_279 = arith.select %eq3A_275, %sub3A_276, %broadcast_in_dim3A_278 : vector<16xi1>, vector<16xi32>
        %reduce_max3A_280 = arith.constant true
        %reduce_max3A_281 = vector.broadcast %reduce_max3A_280 : i1 to vector<16xi1>
        %reduce_max3A_282 = arith.constant -2147483648 : i32
        %reduce_max3A_283 = vector.broadcast %reduce_max3A_282 : i32 to vector<16xi32>
        %reduce_max3A_284 = arith.xori %select_n3A_279, %reduce_max3A_283 : vector<16xi32>
        %reduce_max3A_285 = tpu.scan <max>, %reduce_max3A_284 masked %reduce_max3A_281 : vector<16xi32>, vector<16xi1> -> vector<16xi32>
        %reduce_max3A_286 = arith.xori %reduce_max3A_285, %reduce_max3A_283 : vector<16xi32>
        %reduce_max3A_287 = vector.extract %reduce_max3A_286[15] : i32 from vector<16xi32>
        %mul3A_288 = arith.constant 16 : i32
        %mul3A_289 = arith.muli %sub3A_230, %mul3A_288 : i32
        %add3A_290 = arith.addi %mul3A_289, %sub3A_272 : i32
        %sub3A_291 = arith.subi %scan3A_225, %reduce_max3A_287 : i32
        %select_n3A_292 = arith.select %and3A_256, %sub3A_291, %scan3A_225 : i32
        %select_n3A_293 = arith.select %and3A_256, %add3A_290, %scan3A_228 : i32
        %add3A_294 = arith.addi %scan3A_226, %reduce_max3A_253 : i32
        %or3A_295 = arith.ori %scan3A_227, %and3A_256 : i1
        scf.yield %select_n3A_292, %add3A_294, %or3A_295, %select_n3A_293 : i32, i32, i1, i32
      }
      %scan3A_223 = arith.constant 16 : i32
      %shift_left3A = arith.shli %scan3A_222#3, %sub3A_183 : i32
      %or3A = arith.ori %scan3A_178, %shift_left3A : i32
      scf.yield %or3A, %scan3A_222#0 : i32, i32
    }
    %scan3A_44 = arith.constant 4 : i32
    %and3A = arith.constant 255 : i32
    %and3A_45 = arith.andi %scan3A_43#0, %and3A : i32
    %iota3A = tpu.iota {dimensions = array<i32: 0>} : vector<16xi32>
    %mul3A_46 = arith.constant 256 : i32
    %mul3A_47 = vector.broadcast %mul3A_46 : i32 to vector<16xi32>
    %mul3A_48 = arith.muli %iota3A, %mul3A_47 : vector<16xi32>
    %add3A_49 = vector.broadcast %and3A_45 : i32 to vector<16xi32>
    %add3A_50 = arith.addi %mul3A_48, %add3A_49 : vector<16xi32>
    %gather3A = tpu.vector_load_idx %arg9[%add3A_50] : memref<4096xi32, #tpu.memory_space<vmem>>[vector<16xi32>], vector<16xi32>,
    %iota3A_51 = tpu.iota {dimensions = array<i32: 0>} : vector<16xi32>
    %lt3A = vector.broadcast %arg1 : i32 to vector<16xi32>
    %lt3A_52 = arith.cmpi slt, %iota3A_51, %lt3A : vector<16xi32>
    %jit3A = arith.constant 0 : i32
    %broadcast_in_dim3A = vector.broadcast %jit3A : i32 to vector<16xi32>
    %select_n3A = arith.select %lt3A_52, %gather3A, %broadcast_in_dim3A : vector<16xi1>, vector<16xi32>
    %reduce_sum3A = arith.constant true
    %reduce_sum3A_53 = vector.broadcast %reduce_sum3A : i1 to vector<16xi1>
    %reduce_sum3A_54 = tpu.scan <sum>, %select_n3A masked %reduce_sum3A_53 : vector<16xi32>, vector<16xi1> -> vector<16xi32>
    %reduce_sum3A_55 = vector.extract %reduce_sum3A_54[15] : i32 from vector<16xi32>
    %scan3A_56 = arith.constant 0 : i32
    %scan3A_57 = arith.constant 0 : i32
    %scan3A_58 = arith.constant 32 : i32
    %scan3A_59 = arith.addi %scan3A_57, %scan3A_58 : i32
    %scan3A_60 = arith.constant 1 : i32
    %scan3A_61 = scf.for %scan3A_177 = %scan3A_57 to %scan3A_59 step %scan3A_60 iter_args(%scan3A_178 = %scan3A_56) -> (i32)  : i32 {
      %broadcast_in_dim3A_179 = arith.constant -1 : i32
      %broadcast_in_dim3A_180 = vector.broadcast %broadcast_in_dim3A_179 : i32 to vector<16xi32>
      %mul3A_181 = arith.constant 16 : i32
      %mul3A_182 = arith.muli %scan3A_177, %mul3A_181 : i32
      %swap3A_183 = arith.index_cast %mul3A_182 : i32 to index
      %swap3A_184 = tpu.vector_load %arg11[%swap3A_183] {strides = array<i32>} : memref<544xi32, #tpu.memory_space<vmem>>, vector<16xi32>,
      tpu.vector_store %arg11[%swap3A_183], %broadcast_in_dim3A_180 {strides = array<i32>} : memref<544xi32, #tpu.memory_space<vmem>>, vector<16xi32>,
      %broadcast_in_dim3A_185 = arith.constant -1 : i32
      %broadcast_in_dim3A_186 = vector.broadcast %broadcast_in_dim3A_185 : i32 to vector<16xi32>
      %mul3A_187 = arith.constant 16 : i32
      %mul3A_188 = arith.muli %scan3A_177, %mul3A_187 : i32
      %swap3A_189 = arith.index_cast %mul3A_188 : i32 to index
      %swap3A_190 = tpu.vector_load %arg12[%swap3A_189] {strides = array<i32>} : memref<544xi32, #tpu.memory_space<vmem>>, vector<16xi32>,
      tpu.vector_store %arg12[%swap3A_189], %broadcast_in_dim3A_186 {strides = array<i32>} : memref<544xi32, #tpu.memory_space<vmem>>, vector<16xi32>,
      %scan3A_191 = arith.constant 0 : i32
      scf.yield %scan3A_191 : i32
    }
    %scan3A_62 = arith.constant 32 : i32
    %scan3A_63 = arith.constant 0 : i32
    %scan3A_64 = arith.constant 0 : i32
    %scan3A_65 = arith.constant 0 : i32
    %scan3A_66 = arith.constant 256 : i32
    %scan3A_67 = arith.addi %scan3A_65, %scan3A_66 : i32
    %scan3A_68 = arith.constant 1 : i32
    %scan3A_69:2 = scf.for %scan3A_177 = %scan3A_65 to %scan3A_67 step %scan3A_68 iter_args(%scan3A_178 = %scan3A_63, %scan3A_179 = %scan3A_64) -> (i32, i32)  : i32 {
      %mul3A_180 = arith.constant 16 : i32
      %mul3A_181 = arith.muli %scan3A_177, %mul3A_180 : i32
      %get3A = arith.index_cast %mul3A_181 : i32 to index
      %get3A_182 = tpu.vector_load %arg6[%get3A] {strides = array<i32>} : memref<4096xi32, #tpu.memory_space<vmem>>, vector<16xi32>,
      %and3A_183 = arith.constant 2147483647 : i32
      %and3A_184 = vector.broadcast %and3A_183 : i32 to vector<16xi32>
      %and3A_185 = arith.andi %get3A_182, %and3A_184 : vector<16xi32>
      %lt3A_186 = arith.constant 0 : i32
      %lt3A_187 = vector.broadcast %lt3A_186 : i32 to vector<16xi32>
      %lt3A_188 = arith.cmpi slt, %get3A_182, %lt3A_187 : vector<16xi32>
      %gt3A = vector.broadcast %scan3A_43#0 : i32 to vector<16xi32>
      %gt3A_189 = arith.cmpi sgt, %and3A_185, %gt3A : vector<16xi32>
      %eq3A_190 = vector.broadcast %scan3A_43#0 : i32 to vector<16xi32>
      %eq3A_191 = arith.cmpi eq, %and3A_185, %eq3A_190 : vector<16xi32>
      %convert_element_type3A_192 = arith.extui %eq3A_191 : vector<16xi1> to vector<16xi32>
      %cumsum3A = arith.constant true
      %cumsum3A_193 = vector.broadcast %cumsum3A : i1 to vector<16xi1>
      %cumsum3A_194 = tpu.scan <sum>, %convert_element_type3A_192 masked %cumsum3A_193 : vector<16xi32>, vector<16xi1> -> vector<16xi32>
      %add3A_195 = arith.addi %reduce_sum3A_55, %scan3A_179 : i32
      %add3A_196 = vector.broadcast %add3A_195 : i32 to vector<16xi32>
      %add3A_197 = arith.addi %add3A_196, %cumsum3A_194 : vector<16xi32>
      %sub3A_198 = arith.constant 1 : i32
      %sub3A_199 = vector.broadcast %sub3A_198 : i32 to vector<16xi32>
      %sub3A_200 = arith.subi %add3A_197, %sub3A_199 : vector<16xi32>
      %lt3A_201 = vector.broadcast %scan3A_43#1 : i32 to vector<16xi32>
      %lt3A_202 = arith.cmpi slt, %sub3A_200, %lt3A_201 : vector<16xi32>
      %and3A_203 = arith.andi %eq3A_191, %lt3A_202 : vector<16xi1>
      %or3A = arith.ori %gt3A_189, %and3A_203 : vector<16xi1>
      %gt3A_204 = arith.constant 1057791828 : i32
      %gt3A_205 = vector.broadcast %gt3A_204 : i32 to vector<16xi32>
      %gt3A_206 = arith.cmpi sgt, %and3A_185, %gt3A_205 : vector<16xi32>
      %and3A_207 = arith.andi %or3A, %gt3A_206 : vector<16xi1>
      %not3A = arith.constant dense<true> : vector<16xi1>
      %not3A_208 = arith.xori %lt3A_188, %not3A : vector<16xi1>
      %and3A_209 = arith.andi %and3A_207, %not3A_208 : vector<16xi1>
      %convert_element_type3A_210 = arith.extui %and3A_209 : vector<16xi1> to vector<16xi32>
      %shift_left3A = arith.constant 24 : i32
      %shift_left3A_211 = vector.broadcast %shift_left3A : i32 to vector<16xi32>
      %shift_left3A_212 = arith.shli %convert_element_type3A_210, %shift_left3A_211 : vector<16xi32>
      %mul3A_213 = arith.constant 16 : i32
      %mul3A_214 = arith.muli %scan3A_177, %mul3A_213 : i32
      %get3A_215 = arith.index_cast %mul3A_214 : i32 to index
      %get3A_216 = tpu.vector_load %arg7[%get3A_215] {strides = array<i32>} : memref<4096xi32, #tpu.memory_space<vmem>>, vector<16xi32>,
      %or3A_217 = arith.ori %get3A_216, %shift_left3A_212 : vector<16xi32>
      %and3A_218 = arith.constant 4095 : i32
      %and3A_219 = vector.broadcast %and3A_218 : i32 to vector<16xi32>
      %and3A_220 = arith.andi %get3A_216, %and3A_219 : vector<16xi32>
      %shift_left3A_221 = arith.constant 12 : i32
      %shift_left3A_222 = vector.broadcast %shift_left3A_221 : i32 to vector<16xi32>
      %shift_left3A_223 = arith.shli %and3A_220, %shift_left3A_222 : vector<16xi32>
      %shift_right_arithmetic3A = arith.constant 12 : i32
      %shift_right_arithmetic3A_224 = vector.broadcast %shift_right_arithmetic3A : i32 to vector<16xi32>
      %shift_right_arithmetic3A_225 = arith.shrsi %get3A_216, %shift_right_arithmetic3A_224 : vector<16xi32>
      %or3A_226 = arith.ori %shift_left3A_223, %shift_right_arithmetic3A_225 : vector<16xi32>
      %or3A_227 = arith.ori %or3A_226, %shift_left3A_212 : vector<16xi32>
      %min3A = arith.constant 496 : i32
      %min3A_228 = arith.minsi %scan3A_178, %min3A : i32
      %convert_element_type3A_229 = arith.extui %and3A_207 : vector<16xi1> to vector<16xi32>
      %cumsum3A_230 = arith.constant true
      %cumsum3A_231 = vector.broadcast %cumsum3A_230 : i1 to vector<16xi1>
      %cumsum3A_232 = tpu.scan <sum>, %convert_element_type3A_229 masked %cumsum3A_231 : vector<16xi32>, vector<16xi1> -> vector<16xi32>
      %add3A_233 = vector.broadcast %min3A_228 : i32 to vector<16xi32>
      %add3A_234 = arith.addi %add3A_233, %cumsum3A_232 : vector<16xi32>
      %sub3A_235 = arith.constant 1 : i32
      %sub3A_236 = vector.broadcast %sub3A_235 : i32 to vector<16xi32>
      %sub3A_237 = arith.subi %add3A_234, %sub3A_236 : vector<16xi32>
      %iota3A_238 = tpu.iota {dimensions = array<i32: 0>} : vector<16xi32>
      %add3A_239 = arith.constant 528 : i32
      %add3A_240 = vector.broadcast %add3A_239 : i32 to vector<16xi32>
      %add3A_241 = arith.addi %add3A_240, %iota3A_238 : vector<16xi32>
      %select_n3A_242 = arith.select %and3A_207, %sub3A_237, %add3A_241 : vector<16xi1>, vector<16xi32>
      %reduce_max3A = arith.constant true
      %reduce_max3A_243 = vector.broadcast %reduce_max3A : i1 to vector<16xi1>
      %reduce_max3A_244 = arith.constant -2147483648 : i32
      %reduce_max3A_245 = vector.broadcast %reduce_max3A_244 : i32 to vector<16xi32>
      %reduce_max3A_246 = arith.xori %cumsum3A_232, %reduce_max3A_245 : vector<16xi32>
      %reduce_max3A_247 = tpu.scan <max>, %reduce_max3A_246 masked %reduce_max3A_243 : vector<16xi32>, vector<16xi1> -> vector<16xi32>
      %reduce_max3A_248 = arith.xori %reduce_max3A_247, %reduce_max3A_245 : vector<16xi32>
      %reduce_max3A_249 = vector.extract %reduce_max3A_248[15] : i32 from vector<16xi32>
      %add3A_250 = arith.addi %min3A_228, %reduce_max3A_249 : i32
      tpu.vector_store_idx %arg11[%select_n3A_242], %or3A_217 : memref<544xi32, #tpu.memory_space<vmem>>[vector<16xi32>], vector<16xi32>,
      tpu.vector_store_idx %arg12[%select_n3A_242], %or3A_227 : memref<544xi32, #tpu.memory_space<vmem>>[vector<16xi32>], vector<16xi32>,
      %min3A_251 = arith.constant 512 : i32
      %min3A_252 = arith.minsi %add3A_250, %min3A_251 : i32
      %reduce_max3A_253 = arith.constant true
      %reduce_max3A_254 = vector.broadcast %reduce_max3A_253 : i1 to vector<16xi1>
      %reduce_max3A_255 = arith.constant -2147483648 : i32
      %reduce_max3A_256 = vector.broadcast %reduce_max3A_255 : i32 to vector<16xi32>
      %reduce_max3A_257 = arith.xori %cumsum3A_194, %reduce_max3A_256 : vector<16xi32>
      %reduce_max3A_258 = tpu.scan <max>, %reduce_max3A_257 masked %reduce_max3A_254 : vector<16xi32>, vector<16xi1> -> vector<16xi32>
      %reduce_max3A_259 = arith.xori %reduce_max3A_258, %reduce_max3A_256 : vector<16xi32>
      %reduce_max3A_260 = vector.extract %reduce_max3A_259[15] : i32 from vector<16xi32>
      %add3A_261 = arith.addi %scan3A_179, %reduce_max3A_260 : i32
      scf.yield %min3A_252, %add3A_261 : i32, i32
    }
    %scan3A_70 = arith.constant 256 : i32
    %mul3A_71 = arith.constant 512 : i32
    %mul3A_72 = arith.muli %arg1, %mul3A_71 : i32
    %add3A_73 = arith.constant 16384 : i32
    %add3A_74 = arith.addi %add3A_73, %mul3A_72 : i32
    "tpu.region"() ({
      %run_scoped3A = tpu.sem_alloc : memref<!tpu.dma_semaphore, #tpu.memory_space<semaphore_mem>>
      %dma_start3A = arith.constant 0 : i32
      %dma_start3A_177 = tpu.memref_slice %arg11[%dma_start3A] : memref<544xi32, #tpu.memory_space<vmem>> -> memref<512xi32, #tpu.memory_space<vmem>>
      %dma_start3A_178 = tpu.memref_slice %arg17[%add3A_74] : memref<33024xi32, #tpu.memory_space<vmem_shared>> -> memref<512xi32, #tpu.memory_space<vmem_shared>>
      %dma_start3A_179 = tpu.memref_slice %arg17[%add3A_74] : memref<33024xi32, #tpu.memory_space<vmem_shared>> -> memref<512xi32, #tpu.memory_space<vmem_shared>>
      %dma_start3A_180 = arith.constant 0 : i32
      %dma_start3A_181 = tpu.memref_slice %arg11[%dma_start3A_180] : memref<544xi32, #tpu.memory_space<vmem>> -> memref<512xi32, #tpu.memory_space<vmem>>
      tpu.enqueue_dma source(%dma_start3A_181 : memref<512xi32, #tpu.memory_space<vmem>>) target(%dma_start3A_179 : memref<512xi32, #tpu.memory_space<vmem_shared>>) target_semaphore(%run_scoped3A : memref<!tpu.dma_semaphore, #tpu.memory_space<semaphore_mem>>)
      %dma_wait3A = arith.constant 0 : i32
      %dma_wait3A_182 = tpu.memref_slice %arg11[%dma_wait3A] : memref<544xi32, #tpu.memory_space<vmem>> -> memref<512xi32, #tpu.memory_space<vmem>>
      %dma_wait3A_183 = tpu.memref_slice %arg17[%add3A_74] : memref<33024xi32, #tpu.memory_space<vmem_shared>> -> memref<512xi32, #tpu.memory_space<vmem_shared>>
      %dma_wait3A_184 = tpu.memref_slice %arg17[%add3A_74] : memref<33024xi32, #tpu.memory_space<vmem_shared>> -> memref<512xi32, #tpu.memory_space<vmem_shared>>
      %dma_wait3A_185 = arith.constant 0 : i32
      %dma_wait3A_186 = tpu.memref_slice %arg11[%dma_wait3A_185] : memref<544xi32, #tpu.memory_space<vmem>> -> memref<512xi32, #tpu.memory_space<vmem>>
      tpu.wait_dma2 semaphore(%run_scoped3A : memref<!tpu.dma_semaphore, #tpu.memory_space<semaphore_mem>>) src(%dma_wait3A_186 : memref<512xi32, #tpu.memory_space<vmem>>) dst(%dma_wait3A_184 : memref<512xi32, #tpu.memory_space<vmem_shared>>)
      tpu.yield
    }) : () -> ()
    %mul3A_75 = arith.constant 512 : i32
    %mul3A_76 = arith.muli %arg1, %mul3A_75 : i32
    %add3A_77 = arith.constant 24576 : i32
    %add3A_78 = arith.addi %add3A_77, %mul3A_76 : i32
    "tpu.region"() ({
      %run_scoped3A = tpu.sem_alloc : memref<!tpu.dma_semaphore, #tpu.memory_space<semaphore_mem>>
      %dma_start3A = arith.constant 0 : i32
      %dma_start3A_177 = tpu.memref_slice %arg12[%dma_start3A] : memref<544xi32, #tpu.memory_space<vmem>> -> memref<512xi32, #tpu.memory_space<vmem>>
      %dma_start3A_178 = tpu.memref_slice %arg17[%add3A_78] : memref<33024xi32, #tpu.memory_space<vmem_shared>> -> memref<512xi32, #tpu.memory_space<vmem_shared>>
      %dma_start3A_179 = tpu.memref_slice %arg17[%add3A_78] : memref<33024xi32, #tpu.memory_space<vmem_shared>> -> memref<512xi32, #tpu.memory_space<vmem_shared>>
      %dma_start3A_180 = arith.constant 0 : i32
      %dma_start3A_181 = tpu.memref_slice %arg12[%dma_start3A_180] : memref<544xi32, #tpu.memory_space<vmem>> -> memref<512xi32, #tpu.memory_space<vmem>>
      tpu.enqueue_dma source(%dma_start3A_181 : memref<512xi32, #tpu.memory_space<vmem>>) target(%dma_start3A_179 : memref<512xi32, #tpu.memory_space<vmem_shared>>) target_semaphore(%run_scoped3A : memref<!tpu.dma_semaphore, #tpu.memory_space<semaphore_mem>>)
      %dma_wait3A = arith.constant 0 : i32
      %dma_wait3A_182 = tpu.memref_slice %arg12[%dma_wait3A] : memref<544xi32, #tpu.memory_space<vmem>> -> memref<512xi32, #tpu.memory_space<vmem>>
      %dma_wait3A_183 = tpu.memref_slice %arg17[%add3A_78] : memref<33024xi32, #tpu.memory_space<vmem_shared>> -> memref<512xi32, #tpu.memory_space<vmem_shared>>
      %dma_wait3A_184 = tpu.memref_slice %arg17[%add3A_78] : memref<33024xi32, #tpu.memory_space<vmem_shared>> -> memref<512xi32, #tpu.memory_space<vmem_shared>>
      %dma_wait3A_185 = arith.constant 0 : i32
      %dma_wait3A_186 = tpu.memref_slice %arg12[%dma_wait3A_185] : memref<544xi32, #tpu.memory_space<vmem>> -> memref<512xi32, #tpu.memory_space<vmem>>
      tpu.wait_dma2 semaphore(%run_scoped3A : memref<!tpu.dma_semaphore, #tpu.memory_space<semaphore_mem>>) src(%dma_wait3A_186 : memref<512xi32, #tpu.memory_space<vmem>>) dst(%dma_wait3A_184 : memref<512xi32, #tpu.memory_space<vmem_shared>>)
      tpu.yield
    }) : () -> ()
    %barrier3A = arith.constant 0 : index
    tpu.barrier barrier_id(%barrier3A)
    "tpu.region"() ({
      %run_scoped3A = tpu.sem_alloc : memref<!tpu.dma_semaphore, #tpu.memory_space<semaphore_mem>>
      %dma_start3A = arith.constant 16384 : i32
      %dma_start3A_177 = tpu.memref_slice %arg17[%dma_start3A] : memref<33024xi32, #tpu.memory_space<vmem_shared>> -> memref<8192xi32, #tpu.memory_space<vmem_shared>>
      %dma_start3A_178 = arith.constant 16384 : i32
      %dma_start3A_179 = tpu.memref_slice %arg17[%dma_start3A_178] : memref<33024xi32, #tpu.memory_space<vmem_shared>> -> memref<8192xi32, #tpu.memory_space<vmem_shared>>
      tpu.enqueue_dma source(%dma_start3A_179 : memref<8192xi32, #tpu.memory_space<vmem_shared>>) target(%arg13 : memref<8192xi32, #tpu.memory_space<vmem>>) target_semaphore(%run_scoped3A : memref<!tpu.dma_semaphore, #tpu.memory_space<semaphore_mem>>)
      %dma_wait3A = arith.constant 16384 : i32
      %dma_wait3A_180 = tpu.memref_slice %arg17[%dma_wait3A] : memref<33024xi32, #tpu.memory_space<vmem_shared>> -> memref<8192xi32, #tpu.memory_space<vmem_shared>>
      %dma_wait3A_181 = arith.constant 16384 : i32
      %dma_wait3A_182 = tpu.memref_slice %arg17[%dma_wait3A_181] : memref<33024xi32, #tpu.memory_space<vmem_shared>> -> memref<8192xi32, #tpu.memory_space<vmem_shared>>
      tpu.wait_dma2 semaphore(%run_scoped3A : memref<!tpu.dma_semaphore, #tpu.memory_space<semaphore_mem>>) src(%dma_wait3A_182 : memref<8192xi32, #tpu.memory_space<vmem_shared>>) dst(%arg13 : memref<8192xi32, #tpu.memory_space<vmem>>)
      tpu.yield
    }) : () -> ()
    "tpu.region"() ({
      %run_scoped3A = tpu.sem_alloc : memref<!tpu.dma_semaphore, #tpu.memory_space<semaphore_mem>>
      %dma_start3A = arith.constant 24576 : i32
      %dma_start3A_177 = tpu.memref_slice %arg17[%dma_start3A] : memref<33024xi32, #tpu.memory_space<vmem_shared>> -> memref<8192xi32, #tpu.memory_space<vmem_shared>>
      %dma_start3A_178 = arith.constant 24576 : i32
      %dma_start3A_179 = tpu.memref_slice %arg17[%dma_start3A_178] : memref<33024xi32, #tpu.memory_space<vmem_shared>> -> memref<8192xi32, #tpu.memory_space<vmem_shared>>
      tpu.enqueue_dma source(%dma_start3A_179 : memref<8192xi32, #tpu.memory_space<vmem_shared>>) target(%arg14 : memref<8192xi32, #tpu.memory_space<vmem>>) target_semaphore(%run_scoped3A : memref<!tpu.dma_semaphore, #tpu.memory_space<semaphore_mem>>)
      %dma_wait3A = arith.constant 24576 : i32
      %dma_wait3A_180 = tpu.memref_slice %arg17[%dma_wait3A] : memref<33024xi32, #tpu.memory_space<vmem_shared>> -> memref<8192xi32, #tpu.memory_space<vmem_shared>>
      %dma_wait3A_181 = arith.constant 24576 : i32
      %dma_wait3A_182 = tpu.memref_slice %arg17[%dma_wait3A_181] : memref<33024xi32, #tpu.memory_space<vmem_shared>> -> memref<8192xi32, #tpu.memory_space<vmem_shared>>
      tpu.wait_dma2 semaphore(%run_scoped3A : memref<!tpu.dma_semaphore, #tpu.memory_space<semaphore_mem>>) src(%dma_wait3A_182 : memref<8192xi32, #tpu.memory_space<vmem_shared>>) dst(%arg14 : memref<8192xi32, #tpu.memory_space<vmem>>)
      tpu.yield
    }) : () -> ()
    %scan3A_79 = arith.constant 0 : i32
    %scan3A_80 = arith.constant 0 : i32
    %scan3A_81 = arith.constant 512 : i32
    %scan3A_82 = arith.addi %scan3A_80, %scan3A_81 : i32
    %scan3A_83 = arith.constant 1 : i32
    %scan3A_84 = scf.for %scan3A_177 = %scan3A_80 to %scan3A_82 step %scan3A_83 iter_args(%scan3A_178 = %scan3A_79) -> (i32)  : i32 {
      %mul3A_179 = arith.constant 16 : i32
      %mul3A_180 = arith.muli %scan3A_177, %mul3A_179 : i32
      %get3A = arith.index_cast %mul3A_180 : i32 to index
      %get3A_181 = tpu.vector_load %arg13[%get3A] {strides = array<i32>} : memref<8192xi32, #tpu.memory_space<vmem>>, vector<16xi32>,
      %and3A_182 = arith.constant 16777215 : i32
      %and3A_183 = vector.broadcast %and3A_182 : i32 to vector<16xi32>
      %and3A_184 = arith.andi %get3A_181, %and3A_183 : vector<16xi32>
      %shift_right_arithmetic3A = arith.constant 12 : i32
      %shift_right_arithmetic3A_185 = vector.broadcast %shift_right_arithmetic3A : i32 to vector<16xi32>
      %shift_right_arithmetic3A_186 = arith.shrsi %and3A_184, %shift_right_arithmetic3A_185 : vector<16xi32>
      %ge3A = vector.broadcast %mul3A_2 : i32 to vector<16xi32>
      %ge3A_187 = arith.cmpi sge, %shift_right_arithmetic3A_186, %ge3A : vector<16xi32>
      %add3A_188 = arith.constant 128 : i32
      %add3A_189 = arith.addi %mul3A_2, %add3A_188 : i32
      %lt3A_190 = vector.broadcast %add3A_189 : i32 to vector<16xi32>
      %lt3A_191 = arith.cmpi slt, %shift_right_arithmetic3A_186, %lt3A_190 : vector<16xi32>
      %and3A_192 = arith.andi %ge3A_187, %lt3A_191 : vector<16xi1>
      %ne3A_193 = arith.constant -1 : i32
      %ne3A_194 = vector.broadcast %ne3A_193 : i32 to vector<16xi32>
      %ne3A_195 = arith.cmpi ne, %get3A_181, %ne3A_194 : vector<16xi32>
      %and3A_196 = arith.andi %and3A_192, %ne3A_195 : vector<16xi1>
      %and3A_197 = arith.constant 16777215 : i32
      %and3A_198 = vector.broadcast %and3A_197 : i32 to vector<16xi32>
      %and3A_199 = arith.andi %get3A_181, %and3A_198 : vector<16xi32>
      %mul3A_200 = arith.constant 4096 : i32
      %mul3A_201 = arith.muli %mul3A_2, %mul3A_200 : i32
      %sub3A_202 = vector.broadcast %mul3A_201 : i32 to vector<16xi32>
      %sub3A_203 = arith.subi %and3A_199, %sub3A_202 : vector<16xi32>
      %and3A_204 = arith.constant 16777216 : i32
      %and3A_205 = vector.broadcast %and3A_204 : i32 to vector<16xi32>
      %and3A_206 = arith.andi %get3A_181, %and3A_205 : vector<16xi32>
      %or3A = arith.ori %sub3A_203, %and3A_206 : vector<16xi32>
      %min3A = arith.constant 2032 : i32
      %min3A_207 = arith.minsi %scan3A_178, %min3A : i32
      %convert_element_type3A_208 = arith.extui %and3A_196 : vector<16xi1> to vector<16xi32>
      %cumsum3A = arith.constant true
      %cumsum3A_209 = vector.broadcast %cumsum3A : i1 to vector<16xi1>
      %cumsum3A_210 = tpu.scan <sum>, %convert_element_type3A_208 masked %cumsum3A_209 : vector<16xi32>, vector<16xi1> -> vector<16xi32>
      %add3A_211 = vector.broadcast %min3A_207 : i32 to vector<16xi32>
      %add3A_212 = arith.addi %add3A_211, %cumsum3A_210 : vector<16xi32>
      %sub3A_213 = arith.constant 1 : i32
      %sub3A_214 = vector.broadcast %sub3A_213 : i32 to vector<16xi32>
      %sub3A_215 = arith.subi %add3A_212, %sub3A_214 : vector<16xi32>
      %iota3A_216 = tpu.iota {dimensions = array<i32: 0>} : vector<16xi32>
      %add3A_217 = arith.constant 2064 : i32
      %add3A_218 = vector.broadcast %add3A_217 : i32 to vector<16xi32>
      %add3A_219 = arith.addi %add3A_218, %iota3A_216 : vector<16xi32>
      %select_n3A_220 = arith.select %and3A_196, %sub3A_215, %add3A_219 : vector<16xi1>, vector<16xi32>
      %reduce_max3A = arith.constant true
      %reduce_max3A_221 = vector.broadcast %reduce_max3A : i1 to vector<16xi1>
      %reduce_max3A_222 = arith.constant -2147483648 : i32
      %reduce_max3A_223 = vector.broadcast %reduce_max3A_222 : i32 to vector<16xi32>
      %reduce_max3A_224 = arith.xori %cumsum3A_210, %reduce_max3A_223 : vector<16xi32>
      %reduce_max3A_225 = tpu.scan <max>, %reduce_max3A_224 masked %reduce_max3A_221 : vector<16xi32>, vector<16xi1> -> vector<16xi32>
      %reduce_max3A_226 = arith.xori %reduce_max3A_225, %reduce_max3A_223 : vector<16xi32>
      %reduce_max3A_227 = vector.extract %reduce_max3A_226[15] : i32 from vector<16xi32>
      %add3A_228 = arith.addi %min3A_207, %reduce_max3A_227 : i32
      tpu.vector_store_idx %arg15[%select_n3A_220], %or3A : memref<2080xi32, #tpu.memory_space<vmem>>[vector<16xi32>], vector<16xi32>,
      %min3A_229 = arith.constant 2048 : i32
      %min3A_230 = arith.minsi %add3A_228, %min3A_229 : i32
      scf.yield %min3A_230 : i32
    }
    %scan3A_85 = arith.constant 512 : i32
    %scan3A_86 = arith.constant 0 : i32
    %scan3A_87 = arith.constant 512 : i32
    %scan3A_88 = arith.addi %scan3A_86, %scan3A_87 : i32
    %scan3A_89 = arith.constant 1 : i32
    %scan3A_90 = scf.for %scan3A_177 = %scan3A_86 to %scan3A_88 step %scan3A_89 iter_args(%scan3A_178 = %scan3A_84) -> (i32)  : i32 {
      %mul3A_179 = arith.constant 16 : i32
      %mul3A_180 = arith.muli %scan3A_177, %mul3A_179 : i32
      %get3A = arith.index_cast %mul3A_180 : i32 to index
      %get3A_181 = tpu.vector_load %arg14[%get3A] {strides = array<i32>} : memref<8192xi32, #tpu.memory_space<vmem>>, vector<16xi32>,
      %and3A_182 = arith.constant 16777215 : i32
      %and3A_183 = vector.broadcast %and3A_182 : i32 to vector<16xi32>
      %and3A_184 = arith.andi %get3A_181, %and3A_183 : vector<16xi32>
      %shift_right_arithmetic3A = arith.constant 12 : i32
      %shift_right_arithmetic3A_185 = vector.broadcast %shift_right_arithmetic3A : i32 to vector<16xi32>
      %shift_right_arithmetic3A_186 = arith.shrsi %and3A_184, %shift_right_arithmetic3A_185 : vector<16xi32>
      %ge3A = vector.broadcast %mul3A_2 : i32 to vector<16xi32>
      %ge3A_187 = arith.cmpi sge, %shift_right_arithmetic3A_186, %ge3A : vector<16xi32>
      %add3A_188 = arith.constant 128 : i32
      %add3A_189 = arith.addi %mul3A_2, %add3A_188 : i32
      %lt3A_190 = vector.broadcast %add3A_189 : i32 to vector<16xi32>
      %lt3A_191 = arith.cmpi slt, %shift_right_arithmetic3A_186, %lt3A_190 : vector<16xi32>
      %and3A_192 = arith.andi %ge3A_187, %lt3A_191 : vector<16xi1>
      %ne3A_193 = arith.constant -1 : i32
      %ne3A_194 = vector.broadcast %ne3A_193 : i32 to vector<16xi32>
      %ne3A_195 = arith.cmpi ne, %get3A_181, %ne3A_194 : vector<16xi32>
      %and3A_196 = arith.andi %and3A_192, %ne3A_195 : vector<16xi1>
      %and3A_197 = arith.constant 16777215 : i32
      %and3A_198 = vector.broadcast %and3A_197 : i32 to vector<16xi32>
      %and3A_199 = arith.andi %get3A_181, %and3A_198 : vector<16xi32>
      %mul3A_200 = arith.constant 4096 : i32
      %mul3A_201 = arith.muli %mul3A_2, %mul3A_200 : i32
      %sub3A_202 = vector.broadcast %mul3A_201 : i32 to vector<16xi32>
      %sub3A_203 = arith.subi %and3A_199, %sub3A_202 : vector<16xi32>
      %and3A_204 = arith.constant 16777216 : i32
      %and3A_205 = vector.broadcast %and3A_204 : i32 to vector<16xi32>
      %and3A_206 = arith.andi %get3A_181, %and3A_205 : vector<16xi32>
      %or3A = arith.ori %sub3A_203, %and3A_206 : vector<16xi32>
      %min3A = arith.constant 2032 : i32
      %min3A_207 = arith.minsi %scan3A_178, %min3A : i32
      %convert_element_type3A_208 = arith.extui %and3A_196 : vector<16xi1> to vector<16xi32>
      %cumsum3A = arith.constant true
      %cumsum3A_209 = vector.broadcast %cumsum3A : i1 to vector<16xi1>
      %cumsum3A_210 = tpu.scan <sum>, %convert_element_type3A_208 masked %cumsum3A_209 : vector<16xi32>, vector<16xi1> -> vector<16xi32>
      %add3A_211 = vector.broadcast %min3A_207 : i32 to vector<16xi32>
      %add3A_212 = arith.addi %add3A_211, %cumsum3A_210 : vector<16xi32>
      %sub3A_213 = arith.constant 1 : i32
      %sub3A_214 = vector.broadcast %sub3A_213 : i32 to vector<16xi32>
      %sub3A_215 = arith.subi %add3A_212, %sub3A_214 : vector<16xi32>
      %iota3A_216 = tpu.iota {dimensions = array<i32: 0>} : vector<16xi32>
      %add3A_217 = arith.constant 2064 : i32
      %add3A_218 = vector.broadcast %add3A_217 : i32 to vector<16xi32>
      %add3A_219 = arith.addi %add3A_218, %iota3A_216 : vector<16xi32>
      %select_n3A_220 = arith.select %and3A_196, %sub3A_215, %add3A_219 : vector<16xi1>, vector<16xi32>
      %reduce_max3A = arith.constant true
      %reduce_max3A_221 = vector.broadcast %reduce_max3A : i1 to vector<16xi1>
      %reduce_max3A_222 = arith.constant -2147483648 : i32
      %reduce_max3A_223 = vector.broadcast %reduce_max3A_222 : i32 to vector<16xi32>
      %reduce_max3A_224 = arith.xori %cumsum3A_210, %reduce_max3A_223 : vector<16xi32>
      %reduce_max3A_225 = tpu.scan <max>, %reduce_max3A_224 masked %reduce_max3A_221 : vector<16xi32>, vector<16xi1> -> vector<16xi32>
      %reduce_max3A_226 = arith.xori %reduce_max3A_225, %reduce_max3A_223 : vector<16xi32>
      %reduce_max3A_227 = vector.extract %reduce_max3A_226[15] : i32 from vector<16xi32>
      %add3A_228 = arith.addi %min3A_207, %reduce_max3A_227 : i32
      tpu.vector_store_idx %arg15[%select_n3A_220], %or3A : memref<2080xi32, #tpu.memory_space<vmem>>[vector<16xi32>], vector<16xi32>,
      %min3A_229 = arith.constant 2048 : i32
      %min3A_230 = arith.minsi %add3A_228, %min3A_229 : i32
      scf.yield %min3A_230 : i32
    }
    %scan3A_91 = arith.constant 512 : i32
    %broadcast_in_dim3A_92 = arith.constant -1 : i32
    %broadcast_in_dim3A_93 = vector.broadcast %broadcast_in_dim3A_92 : i32 to vector<16xi32>
    %swap3A = arith.index_cast %scan3A_90 : i32 to index
    %swap3A_94 = tpu.vector_load %arg15[%swap3A] {strides = array<i32>} : memref<2080xi32, #tpu.memory_space<vmem>>, vector<16xi32>,
    tpu.vector_store %arg15[%swap3A], %broadcast_in_dim3A_93 {strides = array<i32>} : memref<2080xi32, #tpu.memory_space<vmem>>, vector<16xi32>,
    %add3A_95 = arith.constant 15 : i32
    %add3A_96 = arith.addi %scan3A_90, %add3A_95 : i32
    %jit3A_97 = arith.constant 16 : i32
    %div3A = arith.divsi %add3A_96, %jit3A_97 : i32
    %sign3A = arith.constant 0 : i32
    %sign3A_98 = arith.cmpi sgt, %add3A_96, %sign3A : i32
    %sign3A_99 = arith.extui %sign3A_98 : i1 to i32
    %sign3A_100 = arith.constant 0 : i32
    %sign3A_101 = arith.cmpi slt, %add3A_96, %sign3A_100 : i32
    %sign3A_102 = arith.extui %sign3A_101 : i1 to i32
    %sign3A_103 = arith.subi %sign3A_99, %sign3A_102 : i32
    %sign3A_104 = arith.constant 0 : i32
    %sign3A_105 = arith.cmpi sgt, %jit3A_97, %sign3A_104 : i32
    %sign3A_106 = arith.extui %sign3A_105 : i1 to i32
    %sign3A_107 = arith.constant 0 : i32
    %sign3A_108 = arith.cmpi slt, %jit3A_97, %sign3A_107 : i32
    %sign3A_109 = arith.extui %sign3A_108 : i1 to i32
    %sign3A_110 = arith.subi %sign3A_106, %sign3A_109 : i32
    %ne3A = arith.cmpi ne, %sign3A_103, %sign3A_110 : i32
    %rem3A = arith.remsi %add3A_96, %jit3A_97 : i32
    %ne3A_111 = arith.constant 0 : i32
    %ne3A_112 = arith.cmpi ne, %rem3A, %ne3A_111 : i32
    %and3A_113 = arith.andi %ne3A, %ne3A_112 : i1
    %sub3A = arith.constant 1 : i32
    %sub3A_114 = arith.subi %div3A, %sub3A : i32
    %select_n3A_115 = arith.select %and3A_113, %sub3A_114, %div3A : i32
    %scan3A_116 = arith.constant 0 : i32
    %scan3A_117 = arith.constant 0 : i32
    %scan3A_118 = arith.constant 32 : i32
    %scan3A_119 = arith.addi %scan3A_117, %scan3A_118 : i32
    %scan3A_120 = arith.constant 1 : i32
    %scan3A_121 = scf.for %scan3A_177 = %scan3A_117 to %scan3A_119 step %scan3A_120 iter_args(%scan3A_178 = %scan3A_116) -> (i32)  : i32 {
      %rem3A_179 = arith.constant 3 : i32
      %rem3A_180 = arith.remsi %scan3A_177, %rem3A_179 : i32
      %eq3A_181 = arith.constant 0 : i32
      %eq3A_182 = arith.cmpi eq, %rem3A_180, %eq3A_181 : i32
      %convert_element_type3A_183 = arith.extui %eq3A_182 : i1 to i32
      %cond3A_184 = arith.constant 0 : i32
      %cond3A_185 = arith.cmpi ne, %convert_element_type3A_183, %cond3A_184 : i32
      scf.if %cond3A_185 {
        %dma_wait3A = arith.constant 0 : i32
        %dma_wait3A_242 = arith.constant 0 : i32
        %dma_wait3A_243 = tpu.memref_slice %arg16[%dma_wait3A, %dma_wait3A_242] : memref<16x4096xf32, #tpu.memory_space<vmem>> -> memref<4x4096xf32, #tpu.memory_space<vmem>>
        %dma_wait3A_244 = arith.constant 0 : i32
        %dma_wait3A_245 = arith.constant 0 : i32
        %dma_wait3A_246 = tpu.memref_slice %arg4[%dma_wait3A_244, %dma_wait3A_245] : memref<4096x4096xf32, #tpu.memory_space<hbm>> -> memref<4x4096xf32, #tpu.memory_space<hbm>>
        %dma_wait3A_247 = arith.constant 0 : i32
        %dma_wait3A_248 = arith.constant 0 : i32
        %dma_wait3A_249 = tpu.memref_slice %arg16[%dma_wait3A_247, %dma_wait3A_248] : memref<16x4096xf32, #tpu.memory_space<vmem>> -> memref<4x4096xf32, #tpu.memory_space<vmem>>
        %dma_wait3A_250 = arith.constant 0 : i32
        %dma_wait3A_251 = arith.constant 0 : i32
        %dma_wait3A_252 = tpu.memref_slice %arg4[%dma_wait3A_250, %dma_wait3A_251] : memref<4096x4096xf32, #tpu.memory_space<hbm>> -> memref<4x4096xf32, #tpu.memory_space<hbm>>
        tpu.wait_dma2 semaphore(%arg18 : memref<!tpu.dma_semaphore, #tpu.memory_space<semaphore_mem>>) src(%dma_wait3A_252 : memref<4x4096xf32, #tpu.memory_space<hbm>>) dst(%dma_wait3A_249 : memref<4x4096xf32, #tpu.memory_space<vmem>>)
      } else {
      }
      %eq3A_186 = arith.constant 1 : i32
      %eq3A_187 = arith.cmpi eq, %rem3A_180, %eq3A_186 : i32
      %convert_element_type3A_188 = arith.extui %eq3A_187 : i1 to i32
      %cond3A_189 = arith.constant 0 : i32
      %cond3A_190 = arith.cmpi ne, %convert_element_type3A_188, %cond3A_189 : i32
      scf.if %cond3A_190 {
        %dma_wait3A = arith.constant 4 : i32
        %dma_wait3A_242 = arith.constant 0 : i32
        %dma_wait3A_243 = tpu.memref_slice %arg16[%dma_wait3A, %dma_wait3A_242] : memref<16x4096xf32, #tpu.memory_space<vmem>> -> memref<4x4096xf32, #tpu.memory_space<vmem>>
        %dma_wait3A_244 = arith.constant 0 : i32
        %dma_wait3A_245 = arith.constant 0 : i32
        %dma_wait3A_246 = tpu.memref_slice %arg4[%dma_wait3A_244, %dma_wait3A_245] : memref<4096x4096xf32, #tpu.memory_space<hbm>> -> memref<4x4096xf32, #tpu.memory_space<hbm>>
        %dma_wait3A_247 = arith.constant 4 : i32
        %dma_wait3A_248 = arith.constant 0 : i32
        %dma_wait3A_249 = tpu.memref_slice %arg16[%dma_wait3A_247, %dma_wait3A_248] : memref<16x4096xf32, #tpu.memory_space<vmem>> -> memref<4x4096xf32, #tpu.memory_space<vmem>>
        %dma_wait3A_250 = arith.constant 0 : i32
        %dma_wait3A_251 = arith.constant 0 : i32
        %dma_wait3A_252 = tpu.memref_slice %arg4[%dma_wait3A_250, %dma_wait3A_251] : memref<4096x4096xf32, #tpu.memory_space<hbm>> -> memref<4x4096xf32, #tpu.memory_space<hbm>>
        tpu.wait_dma2 semaphore(%arg19 : memref<!tpu.dma_semaphore, #tpu.memory_space<semaphore_mem>>) src(%dma_wait3A_252 : memref<4x4096xf32, #tpu.memory_space<hbm>>) dst(%dma_wait3A_249 : memref<4x4096xf32, #tpu.memory_space<vmem>>)
      } else {
      }
      %eq3A_191 = arith.constant 2 : i32
      %eq3A_192 = arith.cmpi eq, %rem3A_180, %eq3A_191 : i32
      %convert_element_type3A_193 = arith.extui %eq3A_192 : i1 to i32
      %cond3A_194 = arith.constant 0 : i32
      %cond3A_195 = arith.cmpi ne, %convert_element_type3A_193, %cond3A_194 : i32
      scf.if %cond3A_195 {
        %dma_wait3A = arith.constant 8 : i32
        %dma_wait3A_242 = arith.constant 0 : i32
        %dma_wait3A_243 = tpu.memref_slice %arg16[%dma_wait3A, %dma_wait3A_242] : memref<16x4096xf32, #tpu.memory_space<vmem>> -> memref<4x4096xf32, #tpu.memory_space<vmem>>
        %dma_wait3A_244 = arith.constant 0 : i32
        %dma_wait3A_245 = arith.constant 0 : i32
        %dma_wait3A_246 = tpu.memref_slice %arg4[%dma_wait3A_244, %dma_wait3A_245] : memref<4096x4096xf32, #tpu.memory_space<hbm>> -> memref<4x4096xf32, #tpu.memory_space<hbm>>
        %dma_wait3A_247 = arith.constant 8 : i32
        %dma_wait3A_248 = arith.constant 0 : i32
        %dma_wait3A_249 = tpu.memref_slice %arg16[%dma_wait3A_247, %dma_wait3A_248] : memref<16x4096xf32, #tpu.memory_space<vmem>> -> memref<4x4096xf32, #tpu.memory_space<vmem>>
        %dma_wait3A_250 = arith.constant 0 : i32
        %dma_wait3A_251 = arith.constant 0 : i32
        %dma_wait3A_252 = tpu.memref_slice %arg4[%dma_wait3A_250, %dma_wait3A_251] : memref<4096x4096xf32, #tpu.memory_space<hbm>> -> memref<4x4096xf32, #tpu.memory_space<hbm>>
        tpu.wait_dma2 semaphore(%arg20 : memref<!tpu.dma_semaphore, #tpu.memory_space<semaphore_mem>>) src(%dma_wait3A_252 : memref<4x4096xf32, #tpu.memory_space<hbm>>) dst(%dma_wait3A_249 : memref<4x4096xf32, #tpu.memory_space<vmem>>)
      } else {
      }
      %mul3A_196 = arith.constant 4 : i32
      %mul3A_197 = arith.muli %scan3A_177, %mul3A_196 : i32
      %mul3A_198 = arith.constant 4096 : i32
      %mul3A_199 = arith.muli %mul3A_197, %mul3A_198 : i32
      %while3A = arith.constant 0 : i32
      %while3A_200 = arith.constant 0 : i32
      %while3A_201 = arith.subi %select_n3A_115, %while3A : i32
      %while3A_202 = arith.addi %while3A, %while3A_201 : i32
      %while3A_203 = arith.constant 1 : i32
      %while3A_204 = arith.divsi %while3A_201, %while3A_203 : i32
      %while3A_205 = arith.muli %while3A_204, %while3A_203 : i32
      %while3A_206 = arith.addi %while3A, %while3A_205 : i32
      %while3A_207 = arith.constant 1 : i32
      %while3A_208 = scf.for %while3A_242 = %while3A to %while3A_206 step %while3A_207 iter_args(%while3A_243 = %while3A_200) -> (i32)  : i32 {
        %mul3A_244 = arith.constant 16 : i32
        %mul3A_245 = arith.muli %while3A_242, %mul3A_244 : i32
        %get3A = arith.index_cast %mul3A_245 : i32 to index
        %get3A_246 = tpu.vector_load %arg15[%get3A] {strides = array<i32>} : memref<2080xi32, #tpu.memory_space<vmem>>, vector<16xi32>,
        %and3A_247 = arith.constant 16777215 : i32
        %and3A_248 = vector.broadcast %and3A_247 : i32 to vector<16xi32>
        %and3A_249 = arith.andi %get3A_246, %and3A_248 : vector<16xi32>
        %sub3A_250 = vector.broadcast %mul3A_199 : i32 to vector<16xi32>
        %sub3A_251 = arith.subi %and3A_249, %sub3A_250 : vector<16xi32>
        %ge3A = arith.constant 0 : i32
        %ge3A_252 = vector.broadcast %ge3A : i32 to vector<16xi32>
        %ge3A_253 = arith.cmpi sge, %sub3A_251, %ge3A_252 : vector<16xi32>
        %lt3A_254 = arith.constant 16384 : i32
        %lt3A_255 = vector.broadcast %lt3A_254 : i32 to vector<16xi32>
        %lt3A_256 = arith.cmpi slt, %sub3A_251, %lt3A_255 : vector<16xi32>
        %and3A_257 = arith.andi %ge3A_253, %lt3A_256 : vector<16xi1>
        %ne3A_258 = arith.constant -1 : i32
        %ne3A_259 = vector.broadcast %ne3A_258 : i32 to vector<16xi32>
        %ne3A_260 = arith.cmpi ne, %get3A_246, %ne3A_259 : vector<16xi32>
        %and3A_261 = arith.andi %and3A_257, %ne3A_260 : vector<16xi1>
        %and3A_262 = arith.constant 16777216 : i32
        %and3A_263 = vector.broadcast %and3A_262 : i32 to vector<16xi32>
        %and3A_264 = arith.andi %get3A_246, %and3A_263 : vector<16xi32>
        %ne3A_265 = arith.constant 0 : i32
        %ne3A_266 = vector.broadcast %ne3A_265 : i32 to vector<16xi32>
        %ne3A_267 = arith.cmpi ne, %and3A_264, %ne3A_266 : vector<16xi32>
        %jit3A_268 = arith.constant 1.000000e+00 : f32
        %jit3A_269 = arith.constant 0.000000e+00 : f32
        %broadcast_in_dim3A_270 = vector.broadcast %jit3A_268 : f32 to vector<16xf32>
        %broadcast_in_dim3A_271 = vector.broadcast %jit3A_269 : f32 to vector<16xf32>
        %select_n3A_272 = arith.select %ne3A_267, %broadcast_in_dim3A_270, %broadcast_in_dim3A_271 : vector<16xi1>, vector<16xf32>
        %mul3A_273 = arith.constant 4 : i32
        %mul3A_274 = arith.muli %rem3A_180, %mul3A_273 : i32
        %shift_right_arithmetic3A = arith.constant 12 : i32
        %shift_right_arithmetic3A_275 = vector.broadcast %shift_right_arithmetic3A : i32 to vector<16xi32>
        %shift_right_arithmetic3A_276 = arith.shrsi %sub3A_251, %shift_right_arithmetic3A_275 : vector<16xi32>
        %add3A_277 = vector.broadcast %mul3A_274 : i32 to vector<16xi32>
        %add3A_278 = arith.addi %add3A_277, %shift_right_arithmetic3A_276 : vector<16xi32>
        %jit3A_279 = arith.constant 12 : i32
        %broadcast_in_dim3A_280 = vector.broadcast %jit3A_279 : i32 to vector<16xi32>
        %select_n3A_281 = arith.select %and3A_261, %add3A_278, %broadcast_in_dim3A_280 : vector<16xi1>, vector<16xi32>
        %and3A_282 = arith.constant 4095 : i32
        %and3A_283 = vector.broadcast %and3A_282 : i32 to vector<16xi32>
        %and3A_284 = arith.andi %sub3A_251, %and3A_283 : vector<16xi32>
        %iota3A_285 = tpu.iota {dimensions = array<i32: 0>} : vector<16xi32>
        %select_n3A_286 = arith.select %and3A_261, %and3A_284, %iota3A_285 : vector<16xi1>, vector<16xi32>
        tpu.vector_store_idx %arg16[%select_n3A_281, %select_n3A_286], %select_n3A_272 : memref<16x4096xf32, #tpu.memory_space<vmem>>[vector<16xi32>, vector<16xi32>], vector<16xf32>,
        %while3A_287 = arith.constant 0 : i32
        scf.yield %while3A_287 : i32
      }
      %while3A_209 = arith.constant 1 : i32
      %while3A_210 = scf.for %while3A_242 = %while3A_206 to %while3A_202 step %while3A_209 iter_args(%while3A_243 = %while3A_208) -> (i32)  : i32 {
        %mul3A_244 = arith.constant 16 : i32
        %mul3A_245 = arith.muli %while3A_242, %mul3A_244 : i32
        %get3A = arith.index_cast %mul3A_245 : i32 to index
        %get3A_246 = tpu.vector_load %arg15[%get3A] {strides = array<i32>} : memref<2080xi32, #tpu.memory_space<vmem>>, vector<16xi32>,
        %and3A_247 = arith.constant 16777215 : i32
        %and3A_248 = vector.broadcast %and3A_247 : i32 to vector<16xi32>
        %and3A_249 = arith.andi %get3A_246, %and3A_248 : vector<16xi32>
        %sub3A_250 = vector.broadcast %mul3A_199 : i32 to vector<16xi32>
        %sub3A_251 = arith.subi %and3A_249, %sub3A_250 : vector<16xi32>
        %ge3A = arith.constant 0 : i32
        %ge3A_252 = vector.broadcast %ge3A : i32 to vector<16xi32>
        %ge3A_253 = arith.cmpi sge, %sub3A_251, %ge3A_252 : vector<16xi32>
        %lt3A_254 = arith.constant 16384 : i32
        %lt3A_255 = vector.broadcast %lt3A_254 : i32 to vector<16xi32>
        %lt3A_256 = arith.cmpi slt, %sub3A_251, %lt3A_255 : vector<16xi32>
        %and3A_257 = arith.andi %ge3A_253, %lt3A_256 : vector<16xi1>
        %ne3A_258 = arith.constant -1 : i32
        %ne3A_259 = vector.broadcast %ne3A_258 : i32 to vector<16xi32>
        %ne3A_260 = arith.cmpi ne, %get3A_246, %ne3A_259 : vector<16xi32>
        %and3A_261 = arith.andi %and3A_257, %ne3A_260 : vector<16xi1>
        %and3A_262 = arith.constant 16777216 : i32
        %and3A_263 = vector.broadcast %and3A_262 : i32 to vector<16xi32>
        %and3A_264 = arith.andi %get3A_246, %and3A_263 : vector<16xi32>
        %ne3A_265 = arith.constant 0 : i32
        %ne3A_266 = vector.broadcast %ne3A_265 : i32 to vector<16xi32>
        %ne3A_267 = arith.cmpi ne, %and3A_264, %ne3A_266 : vector<16xi32>
        %jit3A_268 = arith.constant 1.000000e+00 : f32
        %jit3A_269 = arith.constant 0.000000e+00 : f32
        %broadcast_in_dim3A_270 = vector.broadcast %jit3A_268 : f32 to vector<16xf32>
        %broadcast_in_dim3A_271 = vector.broadcast %jit3A_269 : f32 to vector<16xf32>
        %select_n3A_272 = arith.select %ne3A_267, %broadcast_in_dim3A_270, %broadcast_in_dim3A_271 : vector<16xi1>, vector<16xf32>
        %mul3A_273 = arith.constant 4 : i32
        %mul3A_274 = arith.muli %rem3A_180, %mul3A_273 : i32
        %shift_right_arithmetic3A = arith.constant 12 : i32
        %shift_right_arithmetic3A_275 = vector.broadcast %shift_right_arithmetic3A : i32 to vector<16xi32>
        %shift_right_arithmetic3A_276 = arith.shrsi %sub3A_251, %shift_right_arithmetic3A_275 : vector<16xi32>
        %add3A_277 = vector.broadcast %mul3A_274 : i32 to vector<16xi32>
        %add3A_278 = arith.addi %add3A_277, %shift_right_arithmetic3A_276 : vector<16xi32>
        %jit3A_279 = arith.constant 12 : i32
        %broadcast_in_dim3A_280 = vector.broadcast %jit3A_279 : i32 to vector<16xi32>
        %select_n3A_281 = arith.select %and3A_261, %add3A_278, %broadcast_in_dim3A_280 : vector<16xi1>, vector<16xi32>
        %and3A_282 = arith.constant 4095 : i32
        %and3A_283 = vector.broadcast %and3A_282 : i32 to vector<16xi32>
        %and3A_284 = arith.andi %sub3A_251, %and3A_283 : vector<16xi32>
        %iota3A_285 = tpu.iota {dimensions = array<i32: 0>} : vector<16xi32>
        %select_n3A_286 = arith.select %and3A_261, %and3A_284, %iota3A_285 : vector<16xi1>, vector<16xi32>
        tpu.vector_store_idx %arg16[%select_n3A_281, %select_n3A_286], %select_n3A_272 : memref<16x4096xf32, #tpu.memory_space<vmem>>[vector<16xi32>, vector<16xi32>], vector<16xf32>,
        %while3A_287 = arith.constant 0 : i32
        scf.yield %while3A_287 : i32
      }
      %eq3A_211 = arith.constant 0 : i32
      %eq3A_212 = arith.cmpi eq, %rem3A_180, %eq3A_211 : i32
      %convert_element_type3A_213 = arith.extui %eq3A_212 : i1 to i32
      %cond3A_214 = arith.constant 0 : i32
      %cond3A_215 = arith.cmpi ne, %convert_element_type3A_213, %cond3A_214 : i32
      scf.if %cond3A_215 {
        %mul3A_242 = arith.constant 4 : i32
        %mul3A_243 = arith.muli %scan3A_177, %mul3A_242 : i32
        %add3A_244 = arith.addi %mul3A_2, %mul3A_243 : i32
        %dma_start3A = arith.constant 0 : i32
        %dma_start3A_245 = arith.constant 0 : i32
        %dma_start3A_246 = tpu.memref_slice %arg16[%dma_start3A, %dma_start3A_245] : memref<16x4096xf32, #tpu.memory_space<vmem>> -> memref<4x4096xf32, #tpu.memory_space<vmem>>
        %dma_start3A_247 = arith.constant 0 : i32
        %dma_start3A_248 = tpu.memref_slice %arg5[%add3A_244, %dma_start3A_247] : memref<4096x4096xf32, #tpu.memory_space<hbm>> -> memref<4x4096xf32, #tpu.memory_space<hbm>>
        %dma_start3A_249 = arith.constant 0 : i32
        %dma_start3A_250 = tpu.memref_slice %arg5[%add3A_244, %dma_start3A_249] : memref<4096x4096xf32, #tpu.memory_space<hbm>> -> memref<4x4096xf32, #tpu.memory_space<hbm>>
        %dma_start3A_251 = arith.constant 0 : i32
        %dma_start3A_252 = arith.constant 0 : i32
        %dma_start3A_253 = tpu.memref_slice %arg16[%dma_start3A_251, %dma_start3A_252] : memref<16x4096xf32, #tpu.memory_space<vmem>> -> memref<4x4096xf32, #tpu.memory_space<vmem>>
        tpu.enqueue_dma source(%dma_start3A_253 : memref<4x4096xf32, #tpu.memory_space<vmem>>) target(%dma_start3A_250 : memref<4x4096xf32, #tpu.memory_space<hbm>>) target_semaphore(%arg22 : memref<!tpu.dma_semaphore, #tpu.memory_space<semaphore_mem>>)
      } else {
      }
      %eq3A_216 = arith.constant 1 : i32
      %eq3A_217 = arith.cmpi eq, %rem3A_180, %eq3A_216 : i32
      %convert_element_type3A_218 = arith.extui %eq3A_217 : i1 to i32
      %cond3A_219 = arith.constant 0 : i32
      %cond3A_220 = arith.cmpi ne, %convert_element_type3A_218, %cond3A_219 : i32
      scf.if %cond3A_220 {
        %mul3A_242 = arith.constant 4 : i32
        %mul3A_243 = arith.muli %scan3A_177, %mul3A_242 : i32
        %add3A_244 = arith.addi %mul3A_2, %mul3A_243 : i32
        %dma_start3A = arith.constant 4 : i32
        %dma_start3A_245 = arith.constant 0 : i32
        %dma_start3A_246 = tpu.memref_slice %arg16[%dma_start3A, %dma_start3A_245] : memref<16x4096xf32, #tpu.memory_space<vmem>> -> memref<4x4096xf32, #tpu.memory_space<vmem>>
        %dma_start3A_247 = arith.constant 0 : i32
        %dma_start3A_248 = tpu.memref_slice %arg5[%add3A_244, %dma_start3A_247] : memref<4096x4096xf32, #tpu.memory_space<hbm>> -> memref<4x4096xf32, #tpu.memory_space<hbm>>
        %dma_start3A_249 = arith.constant 0 : i32
        %dma_start3A_250 = tpu.memref_slice %arg5[%add3A_244, %dma_start3A_249] : memref<4096x4096xf32, #tpu.memory_space<hbm>> -> memref<4x4096xf32, #tpu.memory_space<hbm>>
        %dma_start3A_251 = arith.constant 4 : i32
        %dma_start3A_252 = arith.constant 0 : i32
        %dma_start3A_253 = tpu.memref_slice %arg16[%dma_start3A_251, %dma_start3A_252] : memref<16x4096xf32, #tpu.memory_space<vmem>> -> memref<4x4096xf32, #tpu.memory_space<vmem>>
        tpu.enqueue_dma source(%dma_start3A_253 : memref<4x4096xf32, #tpu.memory_space<vmem>>) target(%dma_start3A_250 : memref<4x4096xf32, #tpu.memory_space<hbm>>) target_semaphore(%arg23 : memref<!tpu.dma_semaphore, #tpu.memory_space<semaphore_mem>>)
      } else {
      }
      %eq3A_221 = arith.constant 2 : i32
      %eq3A_222 = arith.cmpi eq, %rem3A_180, %eq3A_221 : i32
      %convert_element_type3A_223 = arith.extui %eq3A_222 : i1 to i32
      %cond3A_224 = arith.constant 0 : i32
      %cond3A_225 = arith.cmpi ne, %convert_element_type3A_223, %cond3A_224 : i32
      scf.if %cond3A_225 {
        %mul3A_242 = arith.constant 4 : i32
        %mul3A_243 = arith.muli %scan3A_177, %mul3A_242 : i32
        %add3A_244 = arith.addi %mul3A_2, %mul3A_243 : i32
        %dma_start3A = arith.constant 8 : i32
        %dma_start3A_245 = arith.constant 0 : i32
        %dma_start3A_246 = tpu.memref_slice %arg16[%dma_start3A, %dma_start3A_245] : memref<16x4096xf32, #tpu.memory_space<vmem>> -> memref<4x4096xf32, #tpu.memory_space<vmem>>
        %dma_start3A_247 = arith.constant 0 : i32
        %dma_start3A_248 = tpu.memref_slice %arg5[%add3A_244, %dma_start3A_247] : memref<4096x4096xf32, #tpu.memory_space<hbm>> -> memref<4x4096xf32, #tpu.memory_space<hbm>>
        %dma_start3A_249 = arith.constant 0 : i32
        %dma_start3A_250 = tpu.memref_slice %arg5[%add3A_244, %dma_start3A_249] : memref<4096x4096xf32, #tpu.memory_space<hbm>> -> memref<4x4096xf32, #tpu.memory_space<hbm>>
        %dma_start3A_251 = arith.constant 8 : i32
        %dma_start3A_252 = arith.constant 0 : i32
        %dma_start3A_253 = tpu.memref_slice %arg16[%dma_start3A_251, %dma_start3A_252] : memref<16x4096xf32, #tpu.memory_space<vmem>> -> memref<4x4096xf32, #tpu.memory_space<vmem>>
        tpu.enqueue_dma source(%dma_start3A_253 : memref<4x4096xf32, #tpu.memory_space<vmem>>) target(%dma_start3A_250 : memref<4x4096xf32, #tpu.memory_space<hbm>>) target_semaphore(%arg24 : memref<!tpu.dma_semaphore, #tpu.memory_space<semaphore_mem>>)
      } else {
      }
      %add3A_226 = arith.constant 3 : i32
      %add3A_227 = arith.addi %scan3A_177, %add3A_226 : i32
      %sub3A_228 = arith.constant 1 : i32
      %sub3A_229 = arith.subi %add3A_227, %sub3A_228 : i32
      %rem3A_230 = arith.constant 3 : i32
      %rem3A_231 = arith.remsi %sub3A_229, %rem3A_230 : i32
      %add3A_232 = arith.constant 3 : i32
      %add3A_233 = arith.addi %scan3A_177, %add3A_232 : i32
      %sub3A_234 = arith.constant 1 : i32
      %sub3A_235 = arith.subi %add3A_233, %sub3A_234 : i32
      %lt3A_236 = arith.constant 32 : i32
      %lt3A_237 = arith.cmpi slt, %sub3A_235, %lt3A_236 : i32
      %convert_element_type3A_238 = arith.extui %lt3A_237 : i1 to i32
      %cond3A_239 = arith.constant 0 : i32
      %cond3A_240 = arith.cmpi ne, %convert_element_type3A_238, %cond3A_239 : i32
      scf.if %cond3A_240 {
        %ge3A = arith.constant 1 : i32
        %ge3A_242 = arith.cmpi sge, %scan3A_177, %ge3A : i32
        %convert_element_type3A_243 = arith.extui %ge3A_242 : i1 to i32
        %cond3A_244 = arith.constant 0 : i32
        %cond3A_245 = arith.cmpi ne, %convert_element_type3A_243, %cond3A_244 : i32
        scf.if %cond3A_245 {
          %eq3A_265 = arith.constant 0 : i32
          %eq3A_266 = arith.cmpi eq, %rem3A_231, %eq3A_265 : i32
          %convert_element_type3A_267 = arith.extui %eq3A_266 : i1 to i32
          %cond3A_268 = arith.constant 0 : i32
          %cond3A_269 = arith.cmpi ne, %convert_element_type3A_267, %cond3A_268 : i32
          scf.if %cond3A_269 {
            %dma_wait3A = arith.constant 0 : i32
            %dma_wait3A_280 = arith.constant 0 : i32
            %dma_wait3A_281 = tpu.memref_slice %arg16[%dma_wait3A, %dma_wait3A_280] : memref<16x4096xf32, #tpu.memory_space<vmem>> -> memref<4x4096xf32, #tpu.memory_space<vmem>>
            %dma_wait3A_282 = arith.constant 0 : i32
            %dma_wait3A_283 = arith.constant 0 : i32
            %dma_wait3A_284 = tpu.memref_slice %arg5[%dma_wait3A_282, %dma_wait3A_283] : memref<4096x4096xf32, #tpu.memory_space<hbm>> -> memref<4x4096xf32, #tpu.memory_space<hbm>>
            %dma_wait3A_285 = arith.constant 0 : i32
            %dma_wait3A_286 = arith.constant 0 : i32
            %dma_wait3A_287 = tpu.memref_slice %arg5[%dma_wait3A_285, %dma_wait3A_286] : memref<4096x4096xf32, #tpu.memory_space<hbm>> -> memref<4x4096xf32, #tpu.memory_space<hbm>>
            %dma_wait3A_288 = arith.constant 0 : i32
            %dma_wait3A_289 = arith.constant 0 : i32
            %dma_wait3A_290 = tpu.memref_slice %arg16[%dma_wait3A_288, %dma_wait3A_289] : memref<16x4096xf32, #tpu.memory_space<vmem>> -> memref<4x4096xf32, #tpu.memory_space<vmem>>
            tpu.wait_dma2 semaphore(%arg22 : memref<!tpu.dma_semaphore, #tpu.memory_space<semaphore_mem>>) src(%dma_wait3A_290 : memref<4x4096xf32, #tpu.memory_space<vmem>>) dst(%dma_wait3A_287 : memref<4x4096xf32, #tpu.memory_space<hbm>>)
          } else {
          }
          %eq3A_270 = arith.constant 1 : i32
          %eq3A_271 = arith.cmpi eq, %rem3A_231, %eq3A_270 : i32
          %convert_element_type3A_272 = arith.extui %eq3A_271 : i1 to i32
          %cond3A_273 = arith.constant 0 : i32
          %cond3A_274 = arith.cmpi ne, %convert_element_type3A_272, %cond3A_273 : i32
          scf.if %cond3A_274 {
            %dma_wait3A = arith.constant 4 : i32
            %dma_wait3A_280 = arith.constant 0 : i32
            %dma_wait3A_281 = tpu.memref_slice %arg16[%dma_wait3A, %dma_wait3A_280] : memref<16x4096xf32, #tpu.memory_space<vmem>> -> memref<4x4096xf32, #tpu.memory_space<vmem>>
            %dma_wait3A_282 = arith.constant 0 : i32
            %dma_wait3A_283 = arith.constant 0 : i32
            %dma_wait3A_284 = tpu.memref_slice %arg5[%dma_wait3A_282, %dma_wait3A_283] : memref<4096x4096xf32, #tpu.memory_space<hbm>> -> memref<4x4096xf32, #tpu.memory_space<hbm>>
            %dma_wait3A_285 = arith.constant 0 : i32
            %dma_wait3A_286 = arith.constant 0 : i32
            %dma_wait3A_287 = tpu.memref_slice %arg5[%dma_wait3A_285, %dma_wait3A_286] : memref<4096x4096xf32, #tpu.memory_space<hbm>> -> memref<4x4096xf32, #tpu.memory_space<hbm>>
            %dma_wait3A_288 = arith.constant 4 : i32
            %dma_wait3A_289 = arith.constant 0 : i32
            %dma_wait3A_290 = tpu.memref_slice %arg16[%dma_wait3A_288, %dma_wait3A_289] : memref<16x4096xf32, #tpu.memory_space<vmem>> -> memref<4x4096xf32, #tpu.memory_space<vmem>>
            tpu.wait_dma2 semaphore(%arg23 : memref<!tpu.dma_semaphore, #tpu.memory_space<semaphore_mem>>) src(%dma_wait3A_290 : memref<4x4096xf32, #tpu.memory_space<vmem>>) dst(%dma_wait3A_287 : memref<4x4096xf32, #tpu.memory_space<hbm>>)
          } else {
          }
          %eq3A_275 = arith.constant 2 : i32
          %eq3A_276 = arith.cmpi eq, %rem3A_231, %eq3A_275 : i32
          %convert_element_type3A_277 = arith.extui %eq3A_276 : i1 to i32
          %cond3A_278 = arith.constant 0 : i32
          %cond3A_279 = arith.cmpi ne, %convert_element_type3A_277, %cond3A_278 : i32
          scf.if %cond3A_279 {
            %dma_wait3A = arith.constant 8 : i32
            %dma_wait3A_280 = arith.constant 0 : i32
            %dma_wait3A_281 = tpu.memref_slice %arg16[%dma_wait3A, %dma_wait3A_280] : memref<16x4096xf32, #tpu.memory_space<vmem>> -> memref<4x4096xf32, #tpu.memory_space<vmem>>
            %dma_wait3A_282 = arith.constant 0 : i32
            %dma_wait3A_283 = arith.constant 0 : i32
            %dma_wait3A_284 = tpu.memref_slice %arg5[%dma_wait3A_282, %dma_wait3A_283] : memref<4096x4096xf32, #tpu.memory_space<hbm>> -> memref<4x4096xf32, #tpu.memory_space<hbm>>
            %dma_wait3A_285 = arith.constant 0 : i32
            %dma_wait3A_286 = arith.constant 0 : i32
            %dma_wait3A_287 = tpu.memref_slice %arg5[%dma_wait3A_285, %dma_wait3A_286] : memref<4096x4096xf32, #tpu.memory_space<hbm>> -> memref<4x4096xf32, #tpu.memory_space<hbm>>
            %dma_wait3A_288 = arith.constant 8 : i32
            %dma_wait3A_289 = arith.constant 0 : i32
            %dma_wait3A_290 = tpu.memref_slice %arg16[%dma_wait3A_288, %dma_wait3A_289] : memref<16x4096xf32, #tpu.memory_space<vmem>> -> memref<4x4096xf32, #tpu.memory_space<vmem>>
            tpu.wait_dma2 semaphore(%arg24 : memref<!tpu.dma_semaphore, #tpu.memory_space<semaphore_mem>>) src(%dma_wait3A_290 : memref<4x4096xf32, #tpu.memory_space<vmem>>) dst(%dma_wait3A_287 : memref<4x4096xf32, #tpu.memory_space<hbm>>)
          } else {
          }
        } else {
        }
        %add3A_246 = arith.constant 3 : i32
        %add3A_247 = arith.addi %scan3A_177, %add3A_246 : i32
        %sub3A_248 = arith.constant 1 : i32
        %sub3A_249 = arith.subi %add3A_247, %sub3A_248 : i32
        %eq3A_250 = arith.constant 0 : i32
        %eq3A_251 = arith.cmpi eq, %rem3A_231, %eq3A_250 : i32
        %convert_element_type3A_252 = arith.extui %eq3A_251 : i1 to i32
        %cond3A_253 = arith.constant 0 : i32
        %cond3A_254 = arith.cmpi ne, %convert_element_type3A_252, %cond3A_253 : i32
        scf.if %cond3A_254 {
          %mul3A_265 = arith.constant 4 : i32
          %mul3A_266 = arith.muli %sub3A_249, %mul3A_265 : i32
          %add3A_267 = arith.addi %mul3A_2, %mul3A_266 : i32
          %dma_start3A = arith.constant 0 : i32
          %dma_start3A_268 = arith.constant 0 : i32
          %dma_start3A_269 = tpu.memref_slice %arg16[%dma_start3A, %dma_start3A_268] : memref<16x4096xf32, #tpu.memory_space<vmem>> -> memref<4x4096xf32, #tpu.memory_space<vmem>>
          %dma_start3A_270 = arith.constant 0 : i32
          %dma_start3A_271 = tpu.memref_slice %arg4[%add3A_267, %dma_start3A_270] : memref<4096x4096xf32, #tpu.memory_space<hbm>> -> memref<4x4096xf32, #tpu.memory_space<hbm>>
          %dma_start3A_272 = arith.constant 0 : i32
          %dma_start3A_273 = arith.constant 0 : i32
          %dma_start3A_274 = tpu.memref_slice %arg16[%dma_start3A_272, %dma_start3A_273] : memref<16x4096xf32, #tpu.memory_space<vmem>> -> memref<4x4096xf32, #tpu.memory_space<vmem>>
          %dma_start3A_275 = arith.constant 0 : i32
          %dma_start3A_276 = tpu.memref_slice %arg4[%add3A_267, %dma_start3A_275] : memref<4096x4096xf32, #tpu.memory_space<hbm>> -> memref<4x4096xf32, #tpu.memory_space<hbm>>
          tpu.enqueue_dma source(%dma_start3A_276 : memref<4x4096xf32, #tpu.memory_space<hbm>>) target(%dma_start3A_274 : memref<4x4096xf32, #tpu.memory_space<vmem>>) target_semaphore(%arg18 : memref<!tpu.dma_semaphore, #tpu.memory_space<semaphore_mem>>)
        } else {
        }
        %eq3A_255 = arith.constant 1 : i32
        %eq3A_256 = arith.cmpi eq, %rem3A_231, %eq3A_255 : i32
        %convert_element_type3A_257 = arith.extui %eq3A_256 : i1 to i32
        %cond3A_258 = arith.constant 0 : i32
        %cond3A_259 = arith.cmpi ne, %convert_element_type3A_257, %cond3A_258 : i32
        scf.if %cond3A_259 {
          %mul3A_265 = arith.constant 4 : i32
          %mul3A_266 = arith.muli %sub3A_249, %mul3A_265 : i32
          %add3A_267 = arith.addi %mul3A_2, %mul3A_266 : i32
          %dma_start3A = arith.constant 4 : i32
          %dma_start3A_268 = arith.constant 0 : i32
          %dma_start3A_269 = tpu.memref_slice %arg16[%dma_start3A, %dma_start3A_268] : memref<16x4096xf32, #tpu.memory_space<vmem>> -> memref<4x4096xf32, #tpu.memory_space<vmem>>
          %dma_start3A_270 = arith.constant 0 : i32
          %dma_start3A_271 = tpu.memref_slice %arg4[%add3A_267, %dma_start3A_270] : memref<4096x4096xf32, #tpu.memory_space<hbm>> -> memref<4x4096xf32, #tpu.memory_space<hbm>>
          %dma_start3A_272 = arith.constant 4 : i32
          %dma_start3A_273 = arith.constant 0 : i32
          %dma_start3A_274 = tpu.memref_slice %arg16[%dma_start3A_272, %dma_start3A_273] : memref<16x4096xf32, #tpu.memory_space<vmem>> -> memref<4x4096xf32, #tpu.memory_space<vmem>>
          %dma_start3A_275 = arith.constant 0 : i32
          %dma_start3A_276 = tpu.memref_slice %arg4[%add3A_267, %dma_start3A_275] : memref<4096x4096xf32, #tpu.memory_space<hbm>> -> memref<4x4096xf32, #tpu.memory_space<hbm>>
          tpu.enqueue_dma source(%dma_start3A_276 : memref<4x4096xf32, #tpu.memory_space<hbm>>) target(%dma_start3A_274 : memref<4x4096xf32, #tpu.memory_space<vmem>>) target_semaphore(%arg19 : memref<!tpu.dma_semaphore, #tpu.memory_space<semaphore_mem>>)
        } else {
        }
        %eq3A_260 = arith.constant 2 : i32
        %eq3A_261 = arith.cmpi eq, %rem3A_231, %eq3A_260 : i32
        %convert_element_type3A_262 = arith.extui %eq3A_261 : i1 to i32
        %cond3A_263 = arith.constant 0 : i32
        %cond3A_264 = arith.cmpi ne, %convert_element_type3A_262, %cond3A_263 : i32
        scf.if %cond3A_264 {
          %mul3A_265 = arith.constant 4 : i32
          %mul3A_266 = arith.muli %sub3A_249, %mul3A_265 : i32
          %add3A_267 = arith.addi %mul3A_2, %mul3A_266 : i32
          %dma_start3A = arith.constant 8 : i32
          %dma_start3A_268 = arith.constant 0 : i32
          %dma_start3A_269 = tpu.memref_slice %arg16[%dma_start3A, %dma_start3A_268] : memref<16x4096xf32, #tpu.memory_space<vmem>> -> memref<4x4096xf32, #tpu.memory_space<vmem>>
          %dma_start3A_270 = arith.constant 0 : i32
          %dma_start3A_271 = tpu.memref_slice %arg4[%add3A_267, %dma_start3A_270] : memref<4096x4096xf32, #tpu.memory_space<hbm>> -> memref<4x4096xf32, #tpu.memory_space<hbm>>
          %dma_start3A_272 = arith.constant 8 : i32
          %dma_start3A_273 = arith.constant 0 : i32
          %dma_start3A_274 = tpu.memref_slice %arg16[%dma_start3A_272, %dma_start3A_273] : memref<16x4096xf32, #tpu.memory_space<vmem>> -> memref<4x4096xf32, #tpu.memory_space<vmem>>
          %dma_start3A_275 = arith.constant 0 : i32
          %dma_start3A_276 = tpu.memref_slice %arg4[%add3A_267, %dma_start3A_275] : memref<4096x4096xf32, #tpu.memory_space<hbm>> -> memref<4x4096xf32, #tpu.memory_space<hbm>>
          tpu.enqueue_dma source(%dma_start3A_276 : memref<4x4096xf32, #tpu.memory_space<hbm>>) target(%dma_start3A_274 : memref<4x4096xf32, #tpu.memory_space<vmem>>) target_semaphore(%arg20 : memref<!tpu.dma_semaphore, #tpu.memory_space<semaphore_mem>>)
        } else {
        }
      } else {
      }
      %scan3A_241 = arith.constant 0 : i32
      scf.yield %scan3A_241 : i32
    }
    %scan3A_122 = arith.constant 32 : i32
    %eq3A_123 = arith.constant 2 : i32
    %eq3A_124 = arith.constant 0 : i32
    %eq3A_125 = arith.cmpi eq, %eq3A_123, %eq3A_124 : i32
    %convert_element_type3A_126 = arith.extui %eq3A_125 : i1 to i32
    %cond3A_127 = arith.constant 0 : i32
    %cond3A_128 = arith.cmpi ne, %convert_element_type3A_126, %cond3A_127 : i32
    scf.if %cond3A_128 {
      %dma_wait3A = arith.constant 0 : i32
      %dma_wait3A_177 = arith.constant 0 : i32
      %dma_wait3A_178 = tpu.memref_slice %arg16[%dma_wait3A, %dma_wait3A_177] : memref<16x4096xf32, #tpu.memory_space<vmem>> -> memref<4x4096xf32, #tpu.memory_space<vmem>>
      %dma_wait3A_179 = arith.constant 0 : i32
      %dma_wait3A_180 = arith.constant 0 : i32
      %dma_wait3A_181 = tpu.memref_slice %arg5[%dma_wait3A_179, %dma_wait3A_180] : memref<4096x4096xf32, #tpu.memory_space<hbm>> -> memref<4x4096xf32, #tpu.memory_space<hbm>>
      %dma_wait3A_182 = arith.constant 0 : i32
      %dma_wait3A_183 = arith.constant 0 : i32
      %dma_wait3A_184 = tpu.memref_slice %arg5[%dma_wait3A_182, %dma_wait3A_183] : memref<4096x4096xf32, #tpu.memory_space<hbm>> -> memref<4x4096xf32, #tpu.memory_space<hbm>>
      %dma_wait3A_185 = arith.constant 0 : i32
      %dma_wait3A_186 = arith.constant 0 : i32
      %dma_wait3A_187 = tpu.memref_slice %arg16[%dma_wait3A_185, %dma_wait3A_186] : memref<16x4096xf32, #tpu.memory_space<vmem>> -> memref<4x4096xf32, #tpu.memory_space<vmem>>
      tpu.wait_dma2 semaphore(%arg22 : memref<!tpu.dma_semaphore, #tpu.memory_space<semaphore_mem>>) src(%dma_wait3A_187 : memref<4x4096xf32, #tpu.memory_space<vmem>>) dst(%dma_wait3A_184 : memref<4x4096xf32, #tpu.memory_space<hbm>>)
    } else {
    }
    %eq3A_129 = arith.constant 2 : i32
    %eq3A_130 = arith.constant 1 : i32
    %eq3A_131 = arith.cmpi eq, %eq3A_129, %eq3A_130 : i32
    %convert_element_type3A_132 = arith.extui %eq3A_131 : i1 to i32
    %cond3A_133 = arith.constant 0 : i32
    %cond3A_134 = arith.cmpi ne, %convert_element_type3A_132, %cond3A_133 : i32
    scf.if %cond3A_134 {
      %dma_wait3A = arith.constant 4 : i32
      %dma_wait3A_177 = arith.constant 0 : i32
      %dma_wait3A_178 = tpu.memref_slice %arg16[%dma_wait3A, %dma_wait3A_177] : memref<16x4096xf32, #tpu.memory_space<vmem>> -> memref<4x4096xf32, #tpu.memory_space<vmem>>
      %dma_wait3A_179 = arith.constant 0 : i32
      %dma_wait3A_180 = arith.constant 0 : i32
      %dma_wait3A_181 = tpu.memref_slice %arg5[%dma_wait3A_179, %dma_wait3A_180] : memref<4096x4096xf32, #tpu.memory_space<hbm>> -> memref<4x4096xf32, #tpu.memory_space<hbm>>
      %dma_wait3A_182 = arith.constant 0 : i32
      %dma_wait3A_183 = arith.constant 0 : i32
      %dma_wait3A_184 = tpu.memref_slice %arg5[%dma_wait3A_182, %dma_wait3A_183] : memref<4096x4096xf32, #tpu.memory_space<hbm>> -> memref<4x4096xf32, #tpu.memory_space<hbm>>
      %dma_wait3A_185 = arith.constant 4 : i32
      %dma_wait3A_186 = arith.constant 0 : i32
      %dma_wait3A_187 = tpu.memref_slice %arg16[%dma_wait3A_185, %dma_wait3A_186] : memref<16x4096xf32, #tpu.memory_space<vmem>> -> memref<4x4096xf32, #tpu.memory_space<vmem>>
      tpu.wait_dma2 semaphore(%arg23 : memref<!tpu.dma_semaphore, #tpu.memory_space<semaphore_mem>>) src(%dma_wait3A_187 : memref<4x4096xf32, #tpu.memory_space<vmem>>) dst(%dma_wait3A_184 : memref<4x4096xf32, #tpu.memory_space<hbm>>)
    } else {
    }
    %eq3A_135 = arith.constant 2 : i32
    %eq3A_136 = arith.constant 2 : i32
    %eq3A_137 = arith.cmpi eq, %eq3A_135, %eq3A_136 : i32
    %convert_element_type3A_138 = arith.extui %eq3A_137 : i1 to i32
    %cond3A_139 = arith.constant 0 : i32
    %cond3A_140 = arith.cmpi ne, %convert_element_type3A_138, %cond3A_139 : i32
    scf.if %cond3A_140 {
      %dma_wait3A = arith.constant 8 : i32
      %dma_wait3A_177 = arith.constant 0 : i32
      %dma_wait3A_178 = tpu.memref_slice %arg16[%dma_wait3A, %dma_wait3A_177] : memref<16x4096xf32, #tpu.memory_space<vmem>> -> memref<4x4096xf32, #tpu.memory_space<vmem>>
      %dma_wait3A_179 = arith.constant 0 : i32
      %dma_wait3A_180 = arith.constant 0 : i32
      %dma_wait3A_181 = tpu.memref_slice %arg5[%dma_wait3A_179, %dma_wait3A_180] : memref<4096x4096xf32, #tpu.memory_space<hbm>> -> memref<4x4096xf32, #tpu.memory_space<hbm>>
      %dma_wait3A_182 = arith.constant 0 : i32
      %dma_wait3A_183 = arith.constant 0 : i32
      %dma_wait3A_184 = tpu.memref_slice %arg5[%dma_wait3A_182, %dma_wait3A_183] : memref<4096x4096xf32, #tpu.memory_space<hbm>> -> memref<4x4096xf32, #tpu.memory_space<hbm>>
      %dma_wait3A_185 = arith.constant 8 : i32
      %dma_wait3A_186 = arith.constant 0 : i32
      %dma_wait3A_187 = tpu.memref_slice %arg16[%dma_wait3A_185, %dma_wait3A_186] : memref<16x4096xf32, #tpu.memory_space<vmem>> -> memref<4x4096xf32, #tpu.memory_space<vmem>>
      tpu.wait_dma2 semaphore(%arg24 : memref<!tpu.dma_semaphore, #tpu.memory_space<semaphore_mem>>) src(%dma_wait3A_187 : memref<4x4096xf32, #tpu.memory_space<vmem>>) dst(%dma_wait3A_184 : memref<4x4096xf32, #tpu.memory_space<hbm>>)
    } else {
    }
    %eq3A_141 = arith.constant 0 : i32
    %eq3A_142 = arith.constant 0 : i32
    %eq3A_143 = arith.cmpi eq, %eq3A_141, %eq3A_142 : i32
    %convert_element_type3A_144 = arith.extui %eq3A_143 : i1 to i32
    %cond3A_145 = arith.constant 0 : i32
    %cond3A_146 = arith.cmpi ne, %convert_element_type3A_144, %cond3A_145 : i32
    scf.if %cond3A_146 {
      %dma_wait3A = arith.constant 0 : i32
      %dma_wait3A_177 = arith.constant 0 : i32
      %dma_wait3A_178 = tpu.memref_slice %arg16[%dma_wait3A, %dma_wait3A_177] : memref<16x4096xf32, #tpu.memory_space<vmem>> -> memref<4x4096xf32, #tpu.memory_space<vmem>>
      %dma_wait3A_179 = arith.constant 0 : i32
      %dma_wait3A_180 = arith.constant 0 : i32
      %dma_wait3A_181 = tpu.memref_slice %arg5[%dma_wait3A_179, %dma_wait3A_180] : memref<4096x4096xf32, #tpu.memory_space<hbm>> -> memref<4x4096xf32, #tpu.memory_space<hbm>>
      %dma_wait3A_182 = arith.constant 0 : i32
      %dma_wait3A_183 = arith.constant 0 : i32
      %dma_wait3A_184 = tpu.memref_slice %arg5[%dma_wait3A_182, %dma_wait3A_183] : memref<4096x4096xf32, #tpu.memory_space<hbm>> -> memref<4x4096xf32, #tpu.memory_space<hbm>>
      %dma_wait3A_185 = arith.constant 0 : i32
      %dma_wait3A_186 = arith.constant 0 : i32
      %dma_wait3A_187 = tpu.memref_slice %arg16[%dma_wait3A_185, %dma_wait3A_186] : memref<16x4096xf32, #tpu.memory_space<vmem>> -> memref<4x4096xf32, #tpu.memory_space<vmem>>
      tpu.wait_dma2 semaphore(%arg22 : memref<!tpu.dma_semaphore, #tpu.memory_space<semaphore_mem>>) src(%dma_wait3A_187 : memref<4x4096xf32, #tpu.memory_space<vmem>>) dst(%dma_wait3A_184 : memref<4x4096xf32, #tpu.memory_space<hbm>>)
    } else {
    }
    %eq3A_147 = arith.constant 0 : i32
    %eq3A_148 = arith.constant 1 : i32
    %eq3A_149 = arith.cmpi eq, %eq3A_147, %eq3A_148 : i32
    %convert_element_type3A_150 = arith.extui %eq3A_149 : i1 to i32
    %cond3A_151 = arith.constant 0 : i32
    %cond3A_152 = arith.cmpi ne, %convert_element_type3A_150, %cond3A_151 : i32
    scf.if %cond3A_152 {
      %dma_wait3A = arith.constant 4 : i32
      %dma_wait3A_177 = arith.constant 0 : i32
      %dma_wait3A_178 = tpu.memref_slice %arg16[%dma_wait3A, %dma_wait3A_177] : memref<16x4096xf32, #tpu.memory_space<vmem>> -> memref<4x4096xf32, #tpu.memory_space<vmem>>
      %dma_wait3A_179 = arith.constant 0 : i32
      %dma_wait3A_180 = arith.constant 0 : i32
      %dma_wait3A_181 = tpu.memref_slice %arg5[%dma_wait3A_179, %dma_wait3A_180] : memref<4096x4096xf32, #tpu.memory_space<hbm>> -> memref<4x4096xf32, #tpu.memory_space<hbm>>
      %dma_wait3A_182 = arith.constant 0 : i32
      %dma_wait3A_183 = arith.constant 0 : i32
      %dma_wait3A_184 = tpu.memref_slice %arg5[%dma_wait3A_182, %dma_wait3A_183] : memref<4096x4096xf32, #tpu.memory_space<hbm>> -> memref<4x4096xf32, #tpu.memory_space<hbm>>
      %dma_wait3A_185 = arith.constant 4 : i32
      %dma_wait3A_186 = arith.constant 0 : i32
      %dma_wait3A_187 = tpu.memref_slice %arg16[%dma_wait3A_185, %dma_wait3A_186] : memref<16x4096xf32, #tpu.memory_space<vmem>> -> memref<4x4096xf32, #tpu.memory_space<vmem>>
      tpu.wait_dma2 semaphore(%arg23 : memref<!tpu.dma_semaphore, #tpu.memory_space<semaphore_mem>>) src(%dma_wait3A_187 : memref<4x4096xf32, #tpu.memory_space<vmem>>) dst(%dma_wait3A_184 : memref<4x4096xf32, #tpu.memory_space<hbm>>)
    } else {
    }
    %eq3A_153 = arith.constant 0 : i32
    %eq3A_154 = arith.constant 2 : i32
    %eq3A_155 = arith.cmpi eq, %eq3A_153, %eq3A_154 : i32
    %convert_element_type3A_156 = arith.extui %eq3A_155 : i1 to i32
    %cond3A_157 = arith.constant 0 : i32
    %cond3A_158 = arith.cmpi ne, %convert_element_type3A_156, %cond3A_157 : i32
    scf.if %cond3A_158 {
      %dma_wait3A = arith.constant 8 : i32
      %dma_wait3A_177 = arith.constant 0 : i32
      %dma_wait3A_178 = tpu.memref_slice %arg16[%dma_wait3A, %dma_wait3A_177] : memref<16x4096xf32, #tpu.memory_space<vmem>> -> memref<4x4096xf32, #tpu.memory_space<vmem>>
      %dma_wait3A_179 = arith.constant 0 : i32
      %dma_wait3A_180 = arith.constant 0 : i32
      %dma_wait3A_181 = tpu.memref_slice %arg5[%dma_wait3A_179, %dma_wait3A_180] : memref<4096x4096xf32, #tpu.memory_space<hbm>> -> memref<4x4096xf32, #tpu.memory_space<hbm>>
      %dma_wait3A_182 = arith.constant 0 : i32
      %dma_wait3A_183 = arith.constant 0 : i32
      %dma_wait3A_184 = tpu.memref_slice %arg5[%dma_wait3A_182, %dma_wait3A_183] : memref<4096x4096xf32, #tpu.memory_space<hbm>> -> memref<4x4096xf32, #tpu.memory_space<hbm>>
      %dma_wait3A_185 = arith.constant 8 : i32
      %dma_wait3A_186 = arith.constant 0 : i32
      %dma_wait3A_187 = tpu.memref_slice %arg16[%dma_wait3A_185, %dma_wait3A_186] : memref<16x4096xf32, #tpu.memory_space<vmem>> -> memref<4x4096xf32, #tpu.memory_space<vmem>>
      tpu.wait_dma2 semaphore(%arg24 : memref<!tpu.dma_semaphore, #tpu.memory_space<semaphore_mem>>) src(%dma_wait3A_187 : memref<4x4096xf32, #tpu.memory_space<vmem>>) dst(%dma_wait3A_184 : memref<4x4096xf32, #tpu.memory_space<hbm>>)
    } else {
    }
    %eq3A_159 = arith.constant 1 : i32
    %eq3A_160 = arith.constant 0 : i32
    %eq3A_161 = arith.cmpi eq, %eq3A_159, %eq3A_160 : i32
    %convert_element_type3A_162 = arith.extui %eq3A_161 : i1 to i32
    %cond3A_163 = arith.constant 0 : i32
    %cond3A_164 = arith.cmpi ne, %convert_element_type3A_162, %cond3A_163 : i32
    scf.if %cond3A_164 {
      %dma_wait3A = arith.constant 0 : i32
      %dma_wait3A_177 = arith.constant 0 : i32
      %dma_wait3A_178 = tpu.memref_slice %arg16[%dma_wait3A, %dma_wait3A_177] : memref<16x4096xf32, #tpu.memory_space<vmem>> -> memref<4x4096xf32, #tpu.memory_space<vmem>>
      %dma_wait3A_179 = arith.constant 0 : i32
      %dma_wait3A_180 = arith.constant 0 : i32
      %dma_wait3A_181 = tpu.memref_slice %arg5[%dma_wait3A_179, %dma_wait3A_180] : memref<4096x4096xf32, #tpu.memory_space<hbm>> -> memref<4x4096xf32, #tpu.memory_space<hbm>>
      %dma_wait3A_182 = arith.constant 0 : i32
      %dma_wait3A_183 = arith.constant 0 : i32
      %dma_wait3A_184 = tpu.memref_slice %arg5[%dma_wait3A_182, %dma_wait3A_183] : memref<4096x4096xf32, #tpu.memory_space<hbm>> -> memref<4x4096xf32, #tpu.memory_space<hbm>>
      %dma_wait3A_185 = arith.constant 0 : i32
      %dma_wait3A_186 = arith.constant 0 : i32
      %dma_wait3A_187 = tpu.memref_slice %arg16[%dma_wait3A_185, %dma_wait3A_186] : memref<16x4096xf32, #tpu.memory_space<vmem>> -> memref<4x4096xf32, #tpu.memory_space<vmem>>
      tpu.wait_dma2 semaphore(%arg22 : memref<!tpu.dma_semaphore, #tpu.memory_space<semaphore_mem>>) src(%dma_wait3A_187 : memref<4x4096xf32, #tpu.memory_space<vmem>>) dst(%dma_wait3A_184 : memref<4x4096xf32, #tpu.memory_space<hbm>>)
    } else {
    }
    %eq3A_165 = arith.constant 1 : i32
    %eq3A_166 = arith.constant 1 : i32
    %eq3A_167 = arith.cmpi eq, %eq3A_165, %eq3A_166 : i32
    %convert_element_type3A_168 = arith.extui %eq3A_167 : i1 to i32
    %cond3A_169 = arith.constant 0 : i32
    %cond3A_170 = arith.cmpi ne, %convert_element_type3A_168, %cond3A_169 : i32
    scf.if %cond3A_170 {
      %dma_wait3A = arith.constant 4 : i32
      %dma_wait3A_177 = arith.constant 0 : i32
      %dma_wait3A_178 = tpu.memref_slice %arg16[%dma_wait3A, %dma_wait3A_177] : memref<16x4096xf32, #tpu.memory_space<vmem>> -> memref<4x4096xf32, #tpu.memory_space<vmem>>
      %dma_wait3A_179 = arith.constant 0 : i32
      %dma_wait3A_180 = arith.constant 0 : i32
      %dma_wait3A_181 = tpu.memref_slice %arg5[%dma_wait3A_179, %dma_wait3A_180] : memref<4096x4096xf32, #tpu.memory_space<hbm>> -> memref<4x4096xf32, #tpu.memory_space<hbm>>
      %dma_wait3A_182 = arith.constant 0 : i32
      %dma_wait3A_183 = arith.constant 0 : i32
      %dma_wait3A_184 = tpu.memref_slice %arg5[%dma_wait3A_182, %dma_wait3A_183] : memref<4096x4096xf32, #tpu.memory_space<hbm>> -> memref<4x4096xf32, #tpu.memory_space<hbm>>
      %dma_wait3A_185 = arith.constant 4 : i32
      %dma_wait3A_186 = arith.constant 0 : i32
      %dma_wait3A_187 = tpu.memref_slice %arg16[%dma_wait3A_185, %dma_wait3A_186] : memref<16x4096xf32, #tpu.memory_space<vmem>> -> memref<4x4096xf32, #tpu.memory_space<vmem>>
      tpu.wait_dma2 semaphore(%arg23 : memref<!tpu.dma_semaphore, #tpu.memory_space<semaphore_mem>>) src(%dma_wait3A_187 : memref<4x4096xf32, #tpu.memory_space<vmem>>) dst(%dma_wait3A_184 : memref<4x4096xf32, #tpu.memory_space<hbm>>)
    } else {
    }
    %eq3A_171 = arith.constant 1 : i32
    %eq3A_172 = arith.constant 2 : i32
    %eq3A_173 = arith.cmpi eq, %eq3A_171, %eq3A_172 : i32
    %convert_element_type3A_174 = arith.extui %eq3A_173 : i1 to i32
    %cond3A_175 = arith.constant 0 : i32
    %cond3A_176 = arith.cmpi ne, %convert_element_type3A_174, %cond3A_175 : i32
    scf.if %cond3A_176 {
      %dma_wait3A = arith.constant 8 : i32
      %dma_wait3A_177 = arith.constant 0 : i32
      %dma_wait3A_178 = tpu.memref_slice %arg16[%dma_wait3A, %dma_wait3A_177] : memref<16x4096xf32, #tpu.memory_space<vmem>> -> memref<4x4096xf32, #tpu.memory_space<vmem>>
      %dma_wait3A_179 = arith.constant 0 : i32
      %dma_wait3A_180 = arith.constant 0 : i32
      %dma_wait3A_181 = tpu.memref_slice %arg5[%dma_wait3A_179, %dma_wait3A_180] : memref<4096x4096xf32, #tpu.memory_space<hbm>> -> memref<4x4096xf32, #tpu.memory_space<hbm>>
      %dma_wait3A_182 = arith.constant 0 : i32
      %dma_wait3A_183 = arith.constant 0 : i32
      %dma_wait3A_184 = tpu.memref_slice %arg5[%dma_wait3A_182, %dma_wait3A_183] : memref<4096x4096xf32, #tpu.memory_space<hbm>> -> memref<4x4096xf32, #tpu.memory_space<hbm>>
      %dma_wait3A_185 = arith.constant 8 : i32
      %dma_wait3A_186 = arith.constant 0 : i32
      %dma_wait3A_187 = tpu.memref_slice %arg16[%dma_wait3A_185, %dma_wait3A_186] : memref<16x4096xf32, #tpu.memory_space<vmem>> -> memref<4x4096xf32, #tpu.memory_space<vmem>>
      tpu.wait_dma2 semaphore(%arg24 : memref<!tpu.dma_semaphore, #tpu.memory_space<semaphore_mem>>) src(%dma_wait3A_187 : memref<4x4096xf32, #tpu.memory_space<vmem>>) dst(%dma_wait3A_184 : memref<4x4096xf32, #tpu.memory_space<hbm>>)
    } else {
    }
    return
  }
}

</mosaic_0001>

<sc_bundles>
// kernel: kernel.3.cloned.1.call-start
scs
__scs_entry_jumppad:
0x0: {  	(pc) =	sbr.rel $0x88, $3  }
0x1: {  	(tag) =	ssettag $0x0;
	lr =	simm.s32 $0x1  }
0x2: {  	[smem:$0x3F9E] =	sst lr;
	_ =	strace $0xD0000000  }
0x3: {  	_ = 	snop  }
0x4: {  	_ = 	snop  }
0x5: {  	_ = 	snop  }
0x6: {  	_ = 	snop  }
0x7: {  	_ = 	snop  }
__scs_overlays_trampoline_lowered:
0x8: {  	[smem:$0x3FAD] =	sst s0  }
0x9: {  	[smem:$0x3FAE] =	sst s1  }
0xa: {  	[smem:$0x3FAF] =	sst s2  }
0xb: {  	[smem:$0x3FB0] =	sst s3  }
0xc: {  	[smem:$0x3FB1] =	sst s4  }
0xd: {  	[smem:$0x3FB2] =	sst s5  }
0xe: {  	[smem:$0x3FB3] =	sst s6  }
0xf: {  	[smem:$0x3FB4] =	sst s7  }
0x10: {  	[smem:$0x3FB5] =	sst s8  }
0x11: {  	[smem:$0x3FB6] =	sst s9;
	s0 =	simm.s32 @!p0 $0x0  }
0x12: {  	s1 =	sld [smem:$0x3F9C];
	s0 =	simm.s32 @p0 $0x1  }
0x13: {  	[smem:$0x3FB7] =	sst s0;
	s0 =	simm.s32 @!p1 $0x0  }
0x14: {  	s2 =	sld [smem:$0x3F9B];
	s0 =	simm.s32 @p1 $0x1  }
0x15: {  	[smem:$0x3FB8] =	sst s0;
	s0 =	simm.s32 @!p2 $0x0  }
0x16: {  	s3 =	sld [smem:$0x3FDB];
	s0 =	simm.s32 @p2 $0x1  }
0x17: {  	s4 =	simm.s32 $0x1BF5;
	[smem:$0x3FBA] =	sst s0  }
0x18: {  	s0 =	sld [smem:$0x3F9D];
	_ =	swait.ge [sflag:s4], $0x0  }
0x19: {  	s7 =	sld [smem:$0x3F9E]  }
0x1a: {  	s8 =	sadd.s32 $0xFFFFE003, lr  }
0x1b: {  	s9 =	sadd.s32 $0xFFFFFEF7, lr;
	s5 =	simm.s32 $0xFFFFFFFF;
	p2 =	slt.u32 s8, $0xFFFFF086  }
0x1c: {  	p1 =	slt.u32 s9, $0xF7A;
	s5 =	simm.s32 @!p2 $0x0  }
0x1d: {  	s5 =	simm.s32 @p1 $0x1;
	p0 =	seq.s32 s7, s2  }
0x1e: {  	s7 =	smul.u32 @!p0 $0xF7A, s2;
	p2 =	seq.s32 @!p0 s5, $0x0  }
0x1f: {  	s9 =	smul.u32 $0xF7A, s1;
	s8 =	simm.s32 @!p0 $0x1BF5;
	p2 =	por !p2, p0  }
0x20: {  	[sflag:s8] =	ssyncset.s32 @!p0 $0xFFFFF086;
	s6 =	sadd.s32 @!p0 s3, s7;
	s7 =	simm.s32 @!p0 $0x108  }
0x21: {  	s3 =	sadd.s32 s3, s9;
	s6 =	sadd.s32 @!p0 $0x88, s6;
	s7 =	simm.s32 @p2 $0x1082  }
0x22: {  	[simem:s7], [sflag:s8] =	dma.local @!p0 [hbm:s6], $0xF7A  }
0x23: {  	s9 =	sor.u32 $0xD0000000, s2;
	s6 =	simm.s32 $0x108;
	_ =	swait.ge @!p0 [sflag:s8], $0x0  }
0x24: {  	s3 =	sadd.s32 $0x88, s3;
	s6 =	simm.s32 @!p1 $0x1082;
	[sflag:s4] =	ssyncset.s32 $0xFFFFF086  }
0x25: {  	[simem:s6], [sflag:s4] =	dma.local [hbm:s3], $0xF7A  }
0x26: {  	[smem:$0x3F9E] =	sst s1;
	(tag) =	ssettag s2;
	_ =	strace s9  }
0x27: {  	s1 =	sld [smem:$0x3FAE]  }
0x28: {  	s2 =	sld [smem:$0x3FAF]  }
0x29: {  	s4 =	sld [smem:$0x3FB1]  }
0x2a: {  	p0 =	seq.s32 s5, $0x0;
	s5 =	sld [smem:$0x3FB2]  }
0x2b: {  	s6 =	sld [smem:$0x3FB3]  }
0x2c: {  	s7 =	sld [smem:$0x3FB4]  }
0x2d: {  	s3 =	simm.s32 $0x108;
	s8 =	sld [smem:$0x3FB5]  }
0x2e: {  	s3 =	simm.s32 @!p0 $0x1082;
	s9 =	sld [smem:$0x3FB6]  }
0x2f: {  	lr =	sadd.s32 s0, s3;
	s0 =	sld [smem:$0x3FAD]  }
0x30: {  	s3 =	sld [smem:$0x3FB0]  }
0x31: {  	[smem:$0x3FB9] =	sst s10  }
0x32: {  	s10 =	sld [smem:$0x3FB7];
	_ =	sdelay $0x3  }
0x33: {  	p0 =	seq.s32 s10, $0x1;
	s10 =	sld [smem:$0x3FB9];
	_ =	sdelay $0x3  }
0x34: {  	[smem:$0x3FB9] =	sst s10  }
0x35: {  	s10 =	sld [smem:$0x3FB8];
	_ =	sdelay $0x3  }
0x36: {  	p1 =	seq.s32 s10, $0x1;
	s10 =	sld [smem:$0x3FB9];
	_ =	sdelay $0x3  }
0x37: {  	[smem:$0x3FB9] =	sst s10  }
0x38: {  	s10 =	sld [smem:$0x3FBA]  }
0x39: {  	_ = 	snop;
	(pc) =	sbr.ind lr, $3  }
0x3a: {  	_ = 	snop  }
0x3b: {  	_ = 	snop  }
0x3c: {  	p2 =	seq.s32 s10, $0x1;
	s10 =	sld [smem:$0x3FB9]  }
0x3d: {  	_ =	shalt  }
0x3e: {  	_ =	shalt  }
0x3f: {  	_ =	shalt  }
0x40: {  	_ =	shalt  }
0x41: {  	_ =	shalt  }
0x42: {  	_ =	shalt  }
0x43: {  	_ =	shalt  }
0x44: {  	_ =	shalt  }
0x45: {  	_ =	shalt  }
0x46: {  	_ =	shalt  }
0x47: {  	_ =	shalt  }
0x48: {  	_ =	shalt  }
0x49: {  	_ =	shalt  }
0x4a: {  	_ =	shalt  }
0x4b: {  	_ =	shalt  }
0x4c: {  	_ =	shalt  }
0x4d: {  	_ =	shalt  }
0x4e: {  	_ =	shalt  }
0x4f: {  	_ =	shalt  }
0x50: {  	_ =	shalt  }
0x51: {  	_ =	shalt  }
0x52: {  	_ =	shalt  }
0x53: {  	_ =	shalt  }
0x54: {  	_ =	shalt  }
0x55: {  	_ =	shalt  }
0x56: {  	_ =	shalt  }
0x57: {  	_ =	shalt  }
0x58: {  	_ =	shalt  }
0x59: {  	_ =	shalt  }
0x5a: {  	_ =	shalt  }
0x5b: {  	_ =	shalt  }
0x5c: {  	_ =	shalt  }
0x5d: {  	_ =	shalt  }
0x5e: {  	_ =	shalt  }
0x5f: {  	_ =	shalt  }
0x60: {  	_ =	shalt  }
0x61: {  	_ =	shalt  }
0x62: {  	_ =	shalt  }
0x63: {  	_ =	shalt  }
0x64: {  	_ =	shalt  }
0x65: {  	_ =	shalt  }
0x66: {  	_ =	shalt  }
0x67: {  	_ =	shalt  }
0x68: {  	_ =	shalt  }
0x69: {  	_ =	shalt  }
0x6a: {  	_ =	shalt  }
0x6b: {  	_ =	shalt  }
0x6c: {  	_ =	shalt  }
0x6d: {  	_ =	shalt  }
0x6e: {  	_ =	shalt  }
0x6f: {  	_ =	shalt  }
0x70: {  	_ =	shalt  }
0x71: {  	_ =	shalt  }
0x72: {  	_ =	shalt  }
0x73: {  	_ =	shalt  }
0x74: {  	_ =	shalt  }
0x75: {  	_ =	shalt  }
0x76: {  	_ =	shalt  }
0x77: {  	_ =	shalt  }
0x78: {  	_ =	shalt  }
0x79: {  	_ =	shalt  }
0x7a: {  	_ =	shalt  }
0x7b: {  	_ =	shalt  }
0x7c: {  	_ =	shalt  }
0x7d: {  	_ =	shalt  }
0x7e: {  	_ =	shalt  }
0x7f: {  	_ =	shalt  }
0x80: {  	_ =	shalt  }
0x81: {  	_ =	shalt  }
0x82: {  	_ =	shalt  }
0x83: {  	_ =	shalt  }
0x84: {  	_ =	shalt  }
0x85: {  	_ =	shalt  }
0x86: {  	_ =	shalt  }
0x87: {  	_ =	shalt  }
.Lfunc_end0:
.L_simem_size_0:
called_computation_lowered:
.L_overlay_start_0:
0x88: {  	s2 =	sld [smem:$0x3FD9]  }
0x89: {  	s3 =	sld [smem:$0x3FFE];
	_ =	sdelay $0x1  }
0x8a: {  	s1 =	srdreg.scid  }
0x8b: {  	s0 =	sand.u32 $0x1, s1  }
0x8c: {  	s17 =	sshll.u32 s0, $0xA;
	s2 =	sadd.s32 s3, s2  }
0x8d: {  	s2 =	sadd.s32 s2, s17  }
0x8e: {  	[smem:$0x3FC5] =	sst s2  }
0x8f: {  	_ = 	snop  }
0x90: {  	s2 =	sld [smem:$0x3FC9]  }
0x91: {  	s18 =	sld [smem:$0x3FD0];
	(tm) =	ssettm $0x1  }
0x92: {  	s4 =	sld [smem:$0x3FFB];
	_ =	sdelay $0x3  }
0x93: {  	_ =	strace s4  }
0x94: {  	s4 =	sld [smem:$0x3FFC];
	_ =	sdelay $0x3  }
0x95: {  	_ =	strace s4  }
0x96: {  	s4 =	sld [smem:$0x3FFD];
	_ =	sdelay $0x3  }
0x97: {  	_ =	strace s4  }
0x98: {  	_ =	strace $0x8FFFFFFF  }
0x99: {  	s19 =	sld [smem:$0x3FDB];
	_ =	sdelay $0x1  }
0x9a: {  	s5 =	simm.s32 $_scs_section_size  }
0x9b: {  	s6 =	simm.s32 $_size__tile_overlayer_lowered;
	s7 =	simm.s32 $_tile_overlayer_lowered  }
0x9c: {  	s22 =	simm.s32 $0x1BFF;
	s21 =	sshll.u32 s7, $0x1;
	s4 =	sadd.s32 s5, s19  }
0x9d: {  	s8 =	simm.s32 $0x0;
	s20 =	sshll.u32 s6, $0x1;
	s6 =	sadd.s32 s21, s4  }
0x9e: {  	[timem:s8], [sflag:s22] =	dma.local [hbm:s6], s20  }
0x9f: {  	_ =	swait.ge [sflag:s22], s20  }
0xa0: {  	s5 =	ssub.s32 $0x0, s20;
	[sflag:s22] =	ssyncset.done $0x0  }
0xa1: {  	[sflag:s22] =	ssyncadd.s32 s5;
	_ =	sdelay $0x1  }
0xa2: {  	s23 =	simm.s32 $0x1B8B  }
0xa3: {  	_ =	swait.ge [sflag:s23], $0x1  }
0xa4: {  	[sflag:s23] =	ssyncset.done $0x0  }
0xa5: {  	s25 =	simm.s32 $0x1B8E;
	s24 =	sld [smem:$0x3FFE];
	[sflag:s23] =	ssyncadd.s32 $0xFFFFFFFF  }
0xa6: {  	s26 =	simm.s32 $execute0_lowered;
	[smem:$0x3FD2] =	sst s25  }
0xa7: {  	s6 =	sshll.u32 s26, $0x1;
	_ =	strace $0x80000046;
	[dreg:$0x1] =	wrdreg $0xFFFFFFFF  }
0xa8: {  	s28 =	simm.s32 $_size_execute0_lowered;
	s4 =	sadd.s32 s4, s6;
	[dreg:$0x0] =	wrdreg $0x0  }
0xa9: {  	s6 =	sshll.u32 s28, $0x1;
	[dreg:$0x2] =	wrdreg s4  }
0xaa: {  	[dreg:$0x3] =	wrdreg s6  }
0xab: {  	[dreg:$0x4] =	wrdreg $0xC0  }
0xac: {  	_ =	task [dreg:s8], $0x5FFFF  }
0xad: {  	[dreg:$0x1] =	wrdreg $0xFFFFFFFF  }
0xae: {  	[dreg:$0x0] =	wrdreg $0x60  }
0xaf: {  	[dreg:$0x2] =	wrdreg s24  }
0xb0: {  	[dreg:$0x3] =	wrdreg s2  }
0xb1: {  	[dreg:$0x4] =	wrdreg s18  }
0xb2: {  	[dreg:$0x5] =	wrdreg $0x180000  }
0xb3: {  	[dreg:$0x6] =	wrdreg $0x9  }
0xb4: {  	_ =	task.clear_ibuf [dreg:s8], $0x7FFFF;
	_ =	strace $0x90000046  }
0xb5: {  	s29 =	simm.s32 $0x9;
	_ =	strace $0x80000048  }
0xb6: {  	_ =	swait.ge [sflag:s29], $0x1  }
0xb7: {  	[sflag:s29] =	ssyncadd.s32 $0xFFFFFFFF  }
0xb8: {  	_ =	strace $0x90000048  }
0xb9: {  	_ =	sfence  }
0xba: {  	s30 =	sld [smem:$0x0];
	_ =	sdelay $0x2  }
0xbb: {  	s31 =	sshll.u32 s1, $0xD;
	s1 =	sshrl.u32 s1, $0x2  }
0xbc: {  	s3 =	sand.u32 $0x4000, s31;
	s1 =	sadd.s32 s1, s30  }
0xbd: {  	s0 =	sor.u32 s3, s0;
	s1 =	sshll.u32 s1, $0x11  }
0xbe: {  	s0 =	sor.u32 s1, s0  }
0xbf: {  	s0 =	sadd.s32 $0x8F2B, s0  }
0xc0: {  	[sflag:s0] =	ssyncadd.remote.s32 $0x1  }
0xc1: {  	_ =	sfence.sel $0xFFFF  }
0xc2: {  	[dreg:$0x0] =	wrdreg $0xFFFFFFFF;
	(pc) =	sbr.abs _section_cstart, $3  }
0xc3: {  	[dreg:$0x1] =	wrdreg $0xFFFFFFFF  }
0xc4: {  	_ =	task.clear_ibuf [dreg:s8], $0x2FFFF;
	_ =	strace $0x9FFFFFFF  }
0xc5: {  	(tm) =	ssettm $0x7FFFFFFF  }
tec
execute0_lowered:
.L_overlay_start_1:
0x0: {  	(tag) =	ssettag $0x1  }
0x1: {  	s0 =	rddreg [dreg:$0x0]  }
0x2: {  	s1 =	rddreg [dreg:$0x1]  }
0x3: {  	s4 =	rddreg [dreg:$0x2]  }
0x4: {  	s2 =	rddreg [dreg:$0x3]  }
0x5: {  	s3 =	simm.s32 $0x0;
	s5 =	srdreg.scid;
	s11 =	stileid.u32  }
0x6: {  	s16 =	simm.s32 $0x7;
	s17 =	simm.s32 $0x2000;
	s19 =	simm.s32 $0x2180  }
0x7: {  	s20 =	simm.s32 $0x3280;
	s21 =	simm.s32 $0x3500;
	s28 =	simm.s32 $0x5  }
0x8: {  	s29 =	simm.s32 $0x6;
	s30 =	simm.s32 $0x0;
	[smem:$0x7FF] =	sst s3  }
0x9: {  	s5 =	sand.u32 $0x1, s5;
	s8 =	sshll.u32 s11, $0x9;
	s23 =	sshll.u32 s11, $0xA  }
0xa: {  	s25 =	sadd.s32 $0x4000, s2;
	s26 =	sadd.s32 $0x6000, s2;
	_ =	strace $0x80000047  }
0xb: {  	s6 =	sshll.u32 s5, $0x4;
	s7 =	ssub.s32 $0x2, s5;
	[dreg:$0x9] =	wrdreg s25  }
0xc: {  	s0 =	sadd.s32 s8, s0;
	s8 =	sadd.s32 s8, s2;
	[dreg:$0xa] =	wrdreg s26  }
0xd: {  	s18 =	sshrl.u32 s23, $0x2;
	s25 =	simm.s32 $0x8000;
	s26 =	simm.s32 $0x4  }
0xe: {  	s9 =	sor.u32 s11, s6;
	s22 =	sshrl.u32 s7, $0x1;
	s12 =	sadd.s32 $0x400, s0  }
0xf: {  	v0 =	vlaneseq.u32;
	v4 =	vimm.s32 $0x0;
	s0 =	sadd.s32 $0x2400, s0;
	s24 =	sadd.s32 $0x4000, s8;
	[dreg:$0x5] =	wrdreg s12  }
.Ltmp0:
0x10: {  	vm0 =	vmmov $0xffff;
	v6 =	vimm.s32 $0x1;
	v9 =	vimm.s32 $0xFFFFFFFF;
	s8 =	sadd.s32 $0x6000, s8;
	[dreg:$0x6] =	wrdreg s0;
	(pc) =	sbr.rel .LBB2_1-.Ltmp0, $4  }
0x11: {  	v12 =	vimm.f32 $1.000000000e+00;
	v10 =	vmov s11;
	v7 =	vmul.u32 $0xFFFFFFFF, v0;
	s5 =	sshll.u32 s9, $0x10;
	s10 =	ssub.s32 s7, s22;
	[dreg:$0x7] =	wrdreg s24  }
0x12: {  	v5 =	vor.u32 $0x100, v0;
	v8 =	vmul.u32 $0x100, v0;
	v11 =	vor.u32 $0x810, v0;
	s15 =	sshll.u32 s9, $0x7;
	[dreg:$0x8] =	wrdreg s8;
	s9 =	sshll.u32 s9, $0x13  }
0x13: {  	vm1 =	vgt.u32 v10, v0;
	v10 =	vor.u32 $0x210, v0;
	v7 =	vadd.s32 $0xF, v7;
	s24 =	simm.s32 $0x7780;
	s6 =	sadd.s32 s1, s5;
	s31 =	sadd.s32 $0x80, s15  }
0x14: {  	s14 =	sadd.s32 s4, s5;
	v1 =	vmov s15;
	s15 =	smax.u32 s10, $0x1;
	v3 =	vmov s9;
	s7 =	sadd.s32 $0x40, s6;
	v2 =	vmov s31  }
.LBB2_53:
0x15: {  	_ =	swait.ge [sflag:s29], $0x4000  }
0x16: {  	[sflag:s29] =	ssyncset.done $0x0  }
0x17: {  	s30 =	sadd.s32 $0x1, s30;
	[sflag:s29] =	ssyncadd.s32 $0xFFFFC000  }
0x18: {  	p0 =	sne.s32 s30, s15;
	_ =	swait.ge [sflag:s26], $0x4000  }
.Ltmp1:
0x19: {  	[sflag:s26] =	ssyncset.done $0x0;
	(pc) =	sbr.rel @!p0 .LBB2_54-.Ltmp1, $4  }
0x1a: {  	[sflag:s26] =	ssyncadd.s32 $0xFFFFC000  }
0x1b: {  	_ =	swait.ge [sflag:s28], $0x4000  }
0x1c: {  	[sflag:s28] =	ssyncset.done $0x0  }
0x1d: {  	[sflag:s28] =	ssyncadd.s32 $0xFFFFC000  }
.LBB2_1:
0x1e: {  	s0 =	simm.s32 $0x80  }
0x1f: {  	s9 =	sadd.s32 $0x0, s6;
	s4 =	simm.s32 $0x8400;
	s8 =	simm.s32 $0x8000  }
.LBB2_2:
0x20: {  	[tilespmem:s8], [sflag:$0x1] =	stream.linear.gather [hbm4b:s9+s3], $0x200, $0x38;
	[tilespmem:$0x18810] =	vst v63  }
0x21: {  	s9 =	smov.u32 s0;
	s8 =	smov.u32 s4;
	p0 =	sne.s32 s0, $0xF80  }
.Ltmp2:
0x22: {  	s0 =	sadd.s32 $0x80, s0;
	(pc) =	sbr.rel @p0 .LBB2_2-.Ltmp2, $2  }
0x23: {  	_ =	sdelay $0x2  }
0x24: {  	s4 =	sadd.s32 $0x400, s4;
	s9 =	sadd.s32 s9, s6  }
0x25: {  	[tilespmem:s8], [sflag:$0x1] =	stream.linear.gather [hbm4b:s9+s3], $0x200, $0x38;
	[tilespmem:$0x18810] =	vst v63  }
0x26: {  	s0 =	simm.s32 $0x8200  }
0x27: {  	s4 =	simm.s32 $0x80;
	s9 =	sadd.s32 $0x0, s7;
	s8 =	simm.s32 $0x8600  }
.LBB2_4:
0x28: {  	[tilespmem:s0], [sflag:$0x2] =	stream.linear.gather [hbm4b:s9+s3], $0x200, $0x38;
	[tilespmem:$0x18810] =	vst v63  }
0x29: {  	s9 =	smov.u32 s4;
	s0 =	smov.u32 s8;
	p0 =	sne.s32 s4, $0xF80  }
.Ltmp3:
0x2a: {  	s4 =	sadd.s32 $0x80, s4;
	(pc) =	sbr.rel @p0 .LBB2_4-.Ltmp3, $2  }
0x2b: {  	_ =	sdelay $0x2  }
0x2c: {  	s8 =	sadd.s32 $0x400, s8;
	s9 =	sadd.s32 s9, s7  }
0x2d: {  	[tilespmem:s0], [sflag:$0x2] =	stream.linear.gather [hbm4b:s9+s3], $0x200, $0x38;
	[tilespmem:$0x18810] =	vst v63  }
0x2e: {  	s0 =	simm.s32 $0x0;
	s4 =	rddreg [dreg:$0x5]  }
0x2f: {  	[tilespmem:s0], [sflag:$0x7] =	stream.linear.gather [hbm4b:s4+s0], $0x1000, $0x38;
	[tilespmem:$0x18810] =	vst v63  }
0x30: {  	_ =	swait.ge [sflag:s16], $0x1000  }
0x31: {  	[sflag:s16] =	ssyncset.done $0x0  }
0x32: {  	s31 =	simm.s32 $0x1000;
	s23 =	rddreg [dreg:$0x6];
	[sflag:s16] =	ssyncadd.s32 $0xFFFFF000  }
0x33: {  	[tilespmem:s31], [sflag:$0x7] =	stream.linear.gather [hbm4b:s23+s0], $0x1000, $0x38;
	[tilespmem:$0x18810] =	vst v63  }
0x34: {  	_ =	swait.ge [sflag:s16], $0x1000  }
0x35: {  	[sflag:s16] =	ssyncset.done $0x0  }
0x36: {  	s4 =	simm.s32 $0x0;
	[sflag:s16] =	ssyncadd.s32 $0xFFFFF000  }
.LBB2_6:
0x37: {  	[tilespmem:$0x2000] =	vst v4  }
0x38: {  	[tilespmem:$0x2010] =	vst v4  }
0x39: {  	[tilespmem:$0x2020] =	vst v4  }
0x3a: {  	[tilespmem:$0x2030] =	vst v4  }
0x3b: {  	[tilespmem:$0x2040] =	vst v4  }
0x3c: {  	[tilespmem:$0x2050] =	vst v4  }
0x3d: {  	[tilespmem:$0x2060] =	vst v4  }
0x3e: {  	[tilespmem:$0x2070] =	vst v4  }
0x3f: {  	[tilespmem:$0x2080] =	vst v4  }
0x40: {  	[tilespmem:$0x2090] =	vst v4  }
0x41: {  	[tilespmem:$0x20A0] =	vst v4  }
0x42: {  	[tilespmem:$0x20B0] =	vst v4  }
0x43: {  	[tilespmem:$0x20C0] =	vst v4;
	s8 =	sshll.u32 s4, $0x3  }
0x44: {  	[tilespmem:$0x20D0] =	vst v4;
	s9 =	ssub.s32 $0x20, s8  }
0x45: {  	[tilespmem:$0x20E0] =	vst v4;
	s22 =	ssub.s32 $0x18, s8;
	s23 =	sshra.s32 s0, s9  }
0x46: {  	[tilespmem:$0x20F0] =	vst v4;
	p0 =	seq.s32 s4, $0x0;
	s8 =	simm.s32 $0x40;
	v13 =	vmov s9;
	v15 =	vmov s22;
	s9 =	simm.s32 $0x0;
	v14 =	vmov s23  }
.LBB2_7:
0x47: {  	p1 =	sne.s32 s8, $0x3FC0;
	v16 =	vld [tilespmem:s9+$0x0];
	_ =	sdelay $0x4  }
0x48: {  	v16 =	vand.u32 $0x7FFFFFFF, v16  }
0x49: {  	v17 =	vshrl.u32 v16, v13  }
0x4a: {  	v16 =	vshrl.u32 v16, v15;
	vm2 =	veq.s32 v17, v14  }
0x4b: {  	v16 =	vand.u32 $0xFF, v16;
	vm2 =	vmmov @p0 vm0  }
0x4c: {  	v16 =	vsel vm2, v16, v5  }
.Ltmp4:
0x4d: {  	(pc) =	sbr.rel @p1 .LBB2_7-.Ltmp4, $2  }
0x4e: {  	_ =	sdelay $0x2  }
0x4f: {  	s9 =	sshra.s32 s8, $0x2;
	s8 =	sadd.s32 $0x40, s8;
	[tilespmem:v16+s17+$0x0] =	vst.idx.add.s32.msk $0xffff, v6  }
0x50: {  	v16 =	vld [tilespmem:s9+$0x0];
	_ =	sdelay $0x4  }
0x51: {  	v16 =	vand.u32 $0x7FFFFFFF, v16  }
0x52: {  	v13 =	vshrl.u32 v16, v13  }
0x53: {  	vm2 =	veq.s32 v13, v14;
	v13 =	vshrl.u32 v16, v15  }
0x54: {  	vm2 =	vmmov @p0 vm0;
	v13 =	vand.u32 $0xFF, v13  }
0x55: {  	v13 =	vsel vm2, v13, v5;
	_ =	sdelay $0x1  }
0x56: {  	s8 =	sshll.u32 s4, $0xC  }
0x57: {  	s8 =	sand.u32 $0x3FFFF000, s8  }
0x58: {  	s8 =	sadd.s32 s8, s2  }
0x59: {  	s11 =	sadd.s32 s18, s8;
	[tilespmem:v13+s17+$0x0] =	vst.idx.add.s32.msk $0xffff, v6  }
0x5a: {  	[spmem:s11] =	stream.linear.scatter [tilespmem:s17], [sflag:$0x7], $0x100, $0x38;
	[tilespmem:$0x18810] =	vst v63  }
0x5b: {  	_ =	swait.ge [sflag:s16], $0x100  }
0x5c: {  	[sflag:s16] =	ssyncset.done $0x0  }
0x5d: {  	[sflag:s16] =	ssyncadd.s32 $0xFFFFFF00  }
0x5e: {  	[bflag:$0x0] =	sbarrier.arrive $0xFFFF  }
0x5f: {  	[tilespmem:s19], [sflag:$0x7] =	stream.linear.gather [spmem:s8], $0x1000, $0x38;
	[tilespmem:$0x18810] =	vst v63  }
0x60: {  	_ =	swait.ge [sflag:s16], $0x1000  }
0x61: {  	s23 =	simm.s32 $0x0;
	[sflag:s16] =	ssyncset.done $0x0  }
0x62: {  	s12 =	sand.u32 $0xF0, s23;
	[sflag:s16] =	ssyncadd.s32 $0xFFFFF000  }
0x63: {  	v13 =	vld [tilespmem:s12+$0x2280]  }
0x64: {  	v14 =	vld [tilespmem:s12+$0x2180]  }
0x65: {  	v15 =	vld [tilespmem:s12+$0x2380]  }
0x66: {  	v57 =	vld [tilespmem:s12+$0x2480]  }
0x67: {  	v17 =	vld [tilespmem:s12+$0x2580]  }
0x68: {  	v18 =	vld [tilespmem:s12+$0x2680]  }
0x69: {  	v13 =	vadd.s32 v14, v13;
	v14 =	vld [tilespmem:s12+$0x2780]  }
0x6a: {  	v13 =	vadd.s32 v13, v15;
	v15 =	vld [tilespmem:s12+$0x2880]  }
0x6b: {  	v58 =	vld [tilespmem:s12+$0x2980];
	v13 =	vadd.s32 v13, v57  }
0x6c: {  	v59 =	vld [tilespmem:s12+$0x2A80];
	v13 =	vadd.s32 v13, v17  }
0x6d: {  	v60 =	vld [tilespmem:s12+$0x2B80];
	v13 =	vadd.s32 v13, v18  }
0x6e: {  	v13 =	vadd.s32 v13, v14;
	v14 =	vld [tilespmem:s12+$0x2C80]  }
0x6f: {  	v13 =	vadd.s32 v13, v15;
	v15 =	vld [tilespmem:s12+$0x2D80]  }
0x70: {  	v61 =	vld [tilespmem:s12+$0x2E80];
	v13 =	vadd.s32 v13, v58  }
0x71: {  	v62 =	vld [tilespmem:s12+$0x2F80];
	v13 =	vadd.s32 v13, v59  }
0x72: {  	v63 =	vld [tilespmem:s12+$0x3080];
	v13 =	vadd.s32 v13, v60  }
0x73: {  	v13 =	vadd.s32 v13, v14  }
0x74: {  	v13 =	vadd.s32 v13, v15  }
0x75: {  	v13 =	vadd.s32 v13, v61  }
0x76: {  	v13 =	vadd.s32 v13, v62  }
0x77: {  	s13 =	simm.s32 $0x10;
	s8 =	simm.s32 $0x3180;
	v13 =	vadd.s32 v13, v63  }
0x78: {  	s9 =	sand.u32 $0xF0, s13;
	[tilespmem:s8+$0x0] =	vst v13  }
0x79: {  	s10 =	simm.s32 $0x20;
	v13 =	vld [tilespmem:s9+$0x2280]  }
.LBB2_9:
0x7a: {  	p0 =	sne.s32 s10, $0xF0;
	v14 =	vld [tilespmem:s9+$0x2180]  }
0x7b: {  	v15 =	vld [tilespmem:s9+$0x2380]  }
0x7c: {  	v16 =	vld [tilespmem:s9+$0x2480]  }
0x7d: {  	v17 =	vld [tilespmem:s9+$0x2580]  }
0x7e: {  	v18 =	vld [tilespmem:s9+$0x2680]  }
0x7f: {  	v13 =	vadd.s32 v14, v13;
	v14 =	vld [tilespmem:s9+$0x2780]  }
0x80: {  	v13 =	vadd.s32 v13, v15;
	v15 =	vld [tilespmem:s9+$0x2880]  }
0x81: {  	v13 =	vadd.s32 v13, v16;
	v16 =	vld [tilespmem:s9+$0x2980]  }
0x82: {  	v13 =	vadd.s32 v13, v17;
	v17 =	vld [tilespmem:s9+$0x2A80]  }
0x83: {  	v13 =	vadd.s32 v13, v18;
	v18 =	vld [tilespmem:s9+$0x2B80]  }
0x84: {  	v13 =	vadd.s32 v13, v14;
	v14 =	vld [tilespmem:s9+$0x2C80]  }
0x85: {  	v13 =	vadd.s32 v13, v15;
	v15 =	vld [tilespmem:s9+$0x2D80]  }
0x86: {  	v13 =	vadd.s32 v13, v16;
	v16 =	vld [tilespmem:s9+$0x2E80]  }
0x87: {  	v13 =	vadd.s32 v13, v17;
	v17 =	vld [tilespmem:s9+$0x2F80]  }
0x88: {  	v13 =	vadd.s32 v13, v18;
	v18 =	vld [tilespmem:s9+$0x3080]  }
0x89: {  	v13 =	vadd.s32 v13, v14  }
0x8a: {  	v13 =	vadd.s32 v13, v15  }
.Ltmp5:
0x8b: {  	v13 =	vadd.s32 v13, v16;
	(pc) =	sbr.rel @p0 .LBB2_9-.Ltmp5, $4  }
0x8c: {  	v13 =	vadd.s32 v13, v17  }
0x8d: {  	s8 =	sadd.s32 $0x10, s8;
	v13 =	vadd.s32 v13, v18  }
0x8e: {  	s9 =	sand.u32 $0xF0, s10;
	[tilespmem:s8+$0x0] =	vst v13  }
0x8f: {  	s10 =	sadd.s32 $0x10, s10;
	v13 =	vld [tilespmem:s9+$0x2280]  }
0x90: {  	v14 =	vld [tilespmem:s9+$0x2180]  }
0x91: {  	v15 =	vld [tilespmem:s9+$0x2380]  }
0x92: {  	v16 =	vld [tilespmem:s9+$0x2480]  }
0x93: {  	v17 =	vld [tilespmem:s9+$0x2580]  }
0x94: {  	v18 =	vld [tilespmem:s9+$0x2680]  }
0x95: {  	v13 =	vadd.s32 v14, v13;
	v14 =	vld [tilespmem:s9+$0x2780]  }
0x96: {  	v13 =	vadd.s32 v13, v15;
	v15 =	vld [tilespmem:s9+$0x2880]  }
0x97: {  	v58 =	vld [tilespmem:s9+$0x2980];
	v13 =	vadd.s32 v13, v16  }
0x98: {  	v59 =	vld [tilespmem:s9+$0x2A80];
	v13 =	vadd.s32 v13, v17  }
0x99: {  	v60 =	vld [tilespmem:s9+$0x2B80];
	v13 =	vadd.s32 v13, v18  }
0x9a: {  	v13 =	vadd.s32 v13, v14;
	v14 =	vld [tilespmem:s9+$0x2C80]  }
0x9b: {  	v13 =	vadd.s32 v13, v15;
	v15 =	vld [tilespmem:s9+$0x2D80]  }
0x9c: {  	v61 =	vld [tilespmem:s9+$0x2E80];
	v13 =	vadd.s32 v13, v58  }
0x9d: {  	v62 =	vld [tilespmem:s9+$0x2F80];
	v13 =	vadd.s32 v13, v59  }
0x9e: {  	v63 =	vld [tilespmem:s9+$0x3080];
	v13 =	vadd.s32 v13, v60  }
0x9f: {  	v13 =	vadd.s32 v13, v14  }
0xa0: {  	v13 =	vadd.s32 v13, v15  }
0xa1: {  	v13 =	vadd.s32 v13, v61  }
0xa2: {  	v13 =	vadd.s32 v13, v62  }
0xa3: {  	s8 =	sadd.s32 $0x10, s8;
	p0 =	por $0x0, $0x0;
	v13 =	vadd.s32 v13, v63  }
0xa4: {  	s10 =	simm.s32 $0x0;
	s9 =	simm.s32 $0x3270;
	[tilespmem:s8+$0x0] =	vst v13;
	s8 =	simm.s32 $0x800000EF  }
.LBB2_11:
0xa5: {  	v13 =	vld [tilespmem:s9+$0x0];
	_ =	sdelay $0x4  }
0xa6: {  	v14 =	vperm.xlane v13, v7;
	_ =	sdelay $0x1  }
0xa7: {  	(xrf0) =	vadd.scan.msk.s32 $0xffff, v14;
	_ =	sdelay $0x5  }
0xa8: {  	v14, _, _ =	vpop (xrf0)  }
0xa9: {  	v14 =	vperm.xlane v14, v7;
	_ =	sdelay $0x1  }
0xaa: {  	v15 =	vadd.s32 s10, v14  }
0xab: {  	v14 =	vxor.u32 $0x80000000, v14;
	vm2 =	vge.s32 v15, s31  }
0xac: {  	(xrf0) =	vmax.scan.msk.u32 $0xffff, v14;
	v14 =	vsel vm2, $0x1, v4  }
0xad: {  	(xrf0) =	vadd.scan.msk.s32 $0xffff, v14;
	_ =	sdelay $0x4  }
0xae: {  	v14, _, _ =	vpop (xrf0)  }
0xaf: {  	v16, _, _ =	vpop (xrf0)  }
0xb0: {  	v16 =	vxor.u32 $0x80000000, v16  }
0xb1: {  	(xrf0) =	vmax.scan.msk.u32 $0xffff, v16;
	_ =	sdelay $0x5  }
0xb2: {  	(v2sf) =	vpush v14, $0xF;
	v14, _, _ =	vpop (xrf0)  }
0xb3: {  	(v2sf) =	vpush v14, $0xF;
	_ =	sdelay $0xd  }
0xb4: {  	s11 =	spop (v2sf)  }
0xb5: {  	s12 =	spop (v2sf)  }
0xb6: {  	s13 =	sadd.s32 $0x7FFFFFFF, s12  }
0xb7: {  	v13 =	vsub.s32 v15, v13;
	v14 =	vmov s13  }
0xb8: {  	v13 =	vxor.u32 $0x80000000, v13;
	vm2 =	veq.s32 v14, v0  }
0xb9: {  	v13 =	vnsel vm2, $0x80000000, v13  }
0xba: {  	(xrf0) =	vmax.scan.msk.u32 $0xffff, v13;
	_ =	sdelay $0x5  }
0xbb: {  	v13, _, _ =	vpop (xrf0)  }
0xbc: {  	(v2sf) =	vpush v13, $0xF;
	_ =	sdelay $0xb  }
0xbd: {  	s11 =	sadd.s32 s11, s10  }
0xbe: {  	s10 =	sadd.s32 $0x80000000, s11  }
0xbf: {  	p1 =	por !p0, !p0;
	p2 =	sge.s32 s10, s31  }
0xc0: {  	p1 =	por !p2, !p1;
	s13 =	spop (v2sf)  }
0xc1: {  	p1 =	por !p1, !p1;
	s12 =	sadd.s32 s8, s12;
	s11 =	sxor.u32 $0x80000000, s13  }
0xc2: {  	s23 =	smov.u32 @p1 s12;
	s11 =	simm.s32 @!p1 $0x0;
	p1 =	sne.s32 s8, $0x7FFFFFFF  }
.Ltmp6:
0xc3: {  	_ = 	snop;
	(pc) =	sbr.rel @p1 .LBB2_11-.Ltmp6, $3  }
0xc4: {  	_ =	sdelay $0x1  }
0xc5: {  	s9 =	sadd.s32 $0xFFFFFFF0, s9  }
0xc6: {  	p0 =	por p0, p2;
	s8 =	sadd.s32 $0xFFFFFFF0, s8;
	s31 =	ssub.s32 s31, s11  }
0xc7: {  	s4 =	sadd.s32 $0x1, s4  }
0xc8: {  	p0 =	sne.s32 s4, $0x4  }
.Ltmp7:
0xc9: {  	_ = 	snop;
	(pc) =	sbr.rel @p0 .LBB2_6-.Ltmp7, $3  }
0xca: {  	_ =	sdelay $0x1  }
0xcb: {  	s8 =	sshll.u32 s23, s22  }
0xcc: {  	s0 =	sor.u32 s0, s8  }
0xcd: {  	s4 =	sand.u32 $0xFF, s0  }
0xce: {  	v13 =	vor.u32 s4, v8;
	_ =	sdelay $0x4  }
0xcf: {  	s8 =	simm.s32 $0x0;
	s4 =	simm.s32 $0x40;
	v13 =	vld.idx.msk [tilespmem:v13+s19+$0x0], $0xffff  }
.LBB2_14:
0xd0: {  	p0 =	seq.s32 s4, $0x7C0;
	[tilespmem:s8+$0x3280] =	vst v9;
	s9 =	smov.u32 s4;
	s4 =	sadd.s32 $0x40, s4  }
.Ltmp8:
0xd1: {  	[tilespmem:s8+$0x3500] =	vst v9;
	(pc) =	sbr.rel @!p0 .LBB2_14-.Ltmp8, $2  }
0xd2: {  	_ =	sdelay $0x2  }
0xd3: {  	s8 =	sshra.s32 s9, $0x2  }
0xd4: {  	v13 =	vnsel vm1, $0x0, v13  }
0xd5: {  	(xrf0) =	vadd.scan.msk.s32 $0xffff, v13;
	_ =	sdelay $0x5  }
0xd6: {  	v13, _, _ =	vpop (xrf0)  }
0xd7: {  	(v2sf) =	vpush v13, $0xF;
	_ =	sdelay $0x3  }
0xd8: {  	[tilespmem:s8+$0x3280] =	vst v9  }
0xd9: {  	[tilespmem:s8+$0x3500] =	vst v9;
	s13 =	simm.s32 $0x0  }
0xda: {  	v15 =	vld [tilespmem:s13+$0x0];
	_ =	sdelay $0x4  }
0xdb: {  	v16 =	vand.u32 $0x7FFFFFFF, v15;
	v13 =	vmov s0  }
0xdc: {  	vm2 =	veq.s32 v16, v13  }
0xdd: {  	v17 =	vsel vm2, $0x1, v4  }
0xde: {  	(xrf0) =	vadd.scan.msk.s32 $0xffff, v17  }
0xdf: {  	s4 =	spop (v2sf)  }
0xe0: {  	s9 =	sadd.s32 $0x0, s4  }
0xe1: {  	v51 =	vmov s9  }
0xe2: {  	v17 =	vadd.s32 $0xFFFFFFFF, v51  }
0xe3: {  	v17 =	vbroadcast v17, $0x0  }
0xe4: {  	v18, _, _ =	vpop (xrf0)  }
0xe5: {  	v14 =	vmov s31;
	v17 =	vadd.s32 v18, v17  }
0xe6: {  	vm3 =	vlt.s32 v17, v14  }
0xe7: {  	vm4 =	vgt.s32 v16, v13;
	vm2 =	vmand vm2, vm3  }
0xe8: {  	vm3 =	vgt.u32 v16, $0x3F0C9F54;
	vm2 =	vmor vm4, vm2  }
0xe9: {  	v52 =	vxor.u32 $0x80000000, v18;
	vm2 =	vmand vm3, vm2  }
0xea: {  	(xrf0) =	vmax.scan.msk.u32 $0xffff, v52;
	v53 =	vsel vm2, $0x1, v4  }
0xeb: {  	(xrf0) =	vadd.scan.msk.s32 $0xffff, v53  }
0xec: {  	s8 =	simm.s32 $0x0;
	p0 =	por $0x1, $0x1  }
0xed: {  	s8 =	simm.s32 @!p0 $0x1F0  }
0xee: {  	v56 =	vld [tilespmem:s13+$0x1000];
	v54 =	vmov s8  }
0xef: {  	v16 =	vadd.s32 $0xFFFFFFFF, v54  }
0xf0: {  	v55, _, _ =	vpop (xrf0);
	v16 =	vbroadcast v16, $0x0  }
0xf1: {  	v19, _, _ =	vpop (xrf0)  }
0xf2: {  	(v2sf) =	vpush v55, $0xF;
	v16 =	vadd.s32 v19, v16;
	v57 =	vxor.u32 $0x80000000, v19  }
0xf3: {  	vm3 =	vgt.s32 v15, $0xFFFFFFFF;
	v15 =	vshll.u32 v56, $0xC;
	v16 =	vsel vm2, v16, v10;
	(xrf0) =	vmax.scan.msk.u32 $0xffff, v57  }
0xf4: {  	v59 =	vshra.s32 v56, $0xC;
	v15 =	vand.u32 $0xFFF000, v15;
	vm2 =	vmand vm3, vm2  }
0xf5: {  	v15 =	vor.u32 v59, v15;
	v58 =	vsel vm2, $0x1000000, v4  }
0xf6: {  	v15 =	vor.u32 v58, v15  }
0xf7: {  	v18 =	vor.u32 v56, v58  }
0xf8: {  	[tilespmem:v16+s20+$0x0] =	vst.idx.msk $0xffff, v18  }
0xf9: {  	s0 =	simm.s32 $0x10;
	[tilespmem:v16+s21+$0x0] =	vst.idx.msk $0xffff, v15;
	v15, _, _ =	vpop (xrf0)  }
0xfa: {  	v16 =	vld [tilespmem:s0+$0x0];
	(v2sf) =	vpush v15, $0xF;
	_ =	sdelay $0x4  }
0xfb: {  	v15 =	vand.u32 $0x7FFFFFFF, v16  }
0xfc: {  	vm2 =	veq.s32 v15, v13  }
0xfd: {  	s22 =	spop (v2sf);
	v60 =	vsel vm2, $0x1, v4  }
0xfe: {  	s9 =	sadd.s32 $0x0, s22;
	(xrf0) =	vadd.scan.msk.s32 $0xffff, v60  }
0xff: {  	s22 =	sadd.s32 $0x80000000, s9  }
0x100: {  	s9 =	sadd.s32 s4, s22  }
0x101: {  	v61 =	vmov s9  }
0x102: {  	v17 =	vadd.s32 $0xFFFFFFFF, v61  }
0x103: {  	v17 =	vbroadcast v17, $0x0  }
0x104: {  	v62, _, _ =	vpop (xrf0)  }
0x105: {  	v17 =	vadd.s32 v62, v17;
	s23 =	spop (v2sf)  }
0x106: {  	v63 =	vxor.u32 $0x80000000, v62;
	vm3 =	vlt.s32 v17, v14;
	s8 =	sadd.s32 s23, s8  }
0x107: {  	vm4 =	vgt.s32 v15, v13;
	(xrf0) =	vmax.scan.msk.u32 $0xffff, v63;
	vm3 =	vmand vm2, vm3;
	s23 =	sadd.s32 $0x80000000, s8  }
0x108: {  	s31 =	simm.s32 $0x80;
	vm2 =	vgt.s32 v16, $0xFFFFFFFF;
	vm3 =	vmor vm4, vm3;
	vm4 =	vgt.u32 v15, $0x3F0C9F54;
	p1 =	slt.s32 s23, $0x200  }
.LBB2_16:
0x109: {  	p0 =	sne.s32 s31, $0x3FC0  }
0x10a: {  	vm3 =	vmand vm4, vm3;
	s23 =	simm.s32 @!p1 $0x200;
	s8 =	smov.u32 s31;
	s31 =	sadd.s32 $0x40, s31  }
0x10b: {  	vm2 =	vmand vm2, vm3;
	p1 =	slt.s32 s23, $0x1F0;
	v17 =	vsel vm3, $0x1, v4  }
0x10c: {  	v16 =	vsel vm2, $0x1000000, v4;
	(xrf0) =	vadd.scan.msk.s32 $0xffff, v17  }
0x10d: {  	v15, _, _ =	vpop (xrf0)  }
0x10e: {  	s23 =	simm.s32 @!p1 $0x1F0;
	(v2sf) =	vpush v15, $0xF  }
0x10f: {  	v15 =	vmov s23  }
0x110: {  	v15 =	vadd.s32 $0xFFFFFFFF, v15  }
0x111: {  	v15 =	vbroadcast v15, $0x0;
	v17 =	vld [tilespmem:s0+$0x1000]  }
0x112: {  	v18, _, _ =	vpop (xrf0)  }
0x113: {  	v15 =	vadd.s32 v18, v15;
	v18 =	vxor.u32 $0x80000000, v18  }
0x114: {  	v15 =	vsel vm3, v15, v10;
	(xrf0) =	vmax.scan.msk.u32 $0xffff, v18;
	_ =	sdelay $0x1  }
0x115: {  	v18 =	vshll.u32 v17, $0xC  }
0x116: {  	v19 =	vshra.s32 v17, $0xC;
	v18 =	vand.u32 $0xFFF000, v18  }
0x117: {  	v17 =	vor.u32 v17, v16;
	v18 =	vor.u32 v19, v18  }
0x118: {  	v16 =	vor.u32 v16, v18;
	[tilespmem:v15+s20+$0x0] =	vst.idx.msk $0xffff, v17  }
0x119: {  	s0 =	sshra.s32 s8, $0x2;
	[tilespmem:v15+s21+$0x0] =	vst.idx.msk $0xffff, v16;
	v15, _, _ =	vpop (xrf0)  }
0x11a: {  	v16 =	vld [tilespmem:s0+$0x0];
	(v2sf) =	vpush v15, $0xF;
	_ =	sdelay $0x1  }
0x11b: {  	s8 =	spop (v2sf)  }
0x11c: {  	s8 =	sadd.s32 s8, s22  }
0x11d: {  	s22 =	sadd.s32 $0x80000000, s8  }
0x11e: {  	v15 =	vand.u32 $0x7FFFFFFF, v16;
	vm2 =	vgt.s32 v16, $0xFFFFFFFF;
	s8 =	sadd.s32 s4, s22  }
0x11f: {  	vm3 =	veq.s32 v15, v13;
	v16 =	vmov s8  }
0x120: {  	v17 =	vsel vm3, $0x1, v4;
	v16 =	vadd.s32 $0xFFFFFFFF, v16  }
0x121: {  	(xrf0) =	vadd.scan.msk.s32 $0xffff, v17;
	_ =	sdelay $0x4  }
0x122: {  	v16 =	vbroadcast v16, $0x0  }
.Ltmp9:
0x123: {  	v17, _, _ =	vpop (xrf0);
	(pc) =	sbr.rel @p0 .LBB2_16-.Ltmp9, $4  }
0x124: {  	v16 =	vadd.s32 v17, v16;
	v17 =	vxor.u32 $0x80000000, v17;
	s8 =	spop (v2sf)  }
0x125: {  	vm4 =	vlt.s32 v16, v14;
	(xrf0) =	vmax.scan.msk.u32 $0xffff, v17;
	s8 =	sadd.s32 s8, s23  }
0x126: {  	vm5 =	vgt.s32 v15, v13;
	vm3 =	vmand vm3, vm4;
	s23 =	sadd.s32 $0x80000000, s8  }
0x127: {  	vm4 =	vgt.u32 v15, $0x3F0C9F54;
	vm3 =	vmor vm5, vm3;
	p1 =	slt.s32 s23, $0x200  }
0x128: {  	vm3 =	vmand vm4, vm3  }
0x129: {  	v13 =	vsel vm3, $0x1, v4  }
0x12a: {  	(xrf0) =	vadd.scan.msk.s32 $0xffff, v13;
	_ =	sdelay $0x4  }
0x12b: {  	v13, _, _ =	vpop (xrf0)  }
0x12c: {  	v14, _, _ =	vpop (xrf0)  }
0x12d: {  	v15 =	vxor.u32 $0x80000000, v14  }
0x12e: {  	(xrf0) =	vmax.scan.msk.u32 $0xffff, v15;
	_ =	sdelay $0x4  }
0x12f: {  	(v2sf) =	vpush v13, $0xF  }
0x130: {  	s23 =	simm.s32 @!p1 $0x200;
	v13, _, _ =	vpop (xrf0)  }
0x131: {  	p0 =	slt.s32 s23, $0x1F0;
	(v2sf) =	vpush v13, $0xF  }
0x132: {  	s23 =	simm.s32 @!p0 $0x1F0  }
0x133: {  	v13 =	vmov s23  }
0x134: {  	v13 =	vadd.s32 $0xFFFFFFFF, v13  }
0x135: {  	v15 =	vld [tilespmem:s0+$0x1000];
	v13 =	vbroadcast v13, $0x0;
	_ =	sdelay $0x1  }
0x136: {  	v13 =	vadd.s32 v14, v13  }
0x137: {  	v13 =	vsel vm3, v13, v10;
	_ =	sdelay $0x1  }
0x138: {  	vm2 =	vmand vm2, vm3;
	v14 =	vshll.u32 v15, $0xC  }
0x139: {  	v16 =	vsel vm2, $0x1000000, v4;
	v17 =	vshra.s32 v15, $0xC;
	v14 =	vand.u32 $0xFFF000, v14  }
0x13a: {  	v15 =	vor.u32 v15, v16;
	v14 =	vor.u32 v17, v14  }
0x13b: {  	v14 =	vor.u32 v16, v14;
	[tilespmem:v13+s20+$0x0] =	vst.idx.msk $0xffff, v15  }
0x13c: {  	s0 =	rddreg [dreg:$0x7];
	s11 =	spop (v2sf);
	[tilespmem:v13+s21+$0x0] =	vst.idx.msk $0xffff, v14  }
0x13d: {  	[spmem:s0] =	stream.linear.scatter [tilespmem:s20], [sflag:$0x7], $0x200, $0x38;
	[tilespmem:$0x18810] =	vst v63  }
0x13e: {  	s12 =	spop (v2sf)  }
0x13f: {  	_ =	swait.ge [sflag:s16], $0x200  }
0x140: {  	[sflag:s16] =	ssyncset.done $0x0  }
0x141: {  	s13 =	rddreg [dreg:$0x8];
	[sflag:s16] =	ssyncadd.s32 $0xFFFFFE00  }
0x142: {  	[spmem:s13] =	stream.linear.scatter [tilespmem:s21], [sflag:$0x7], $0x200, $0x38;
	[tilespmem:$0x18810] =	vst v63  }
0x143: {  	_ =	swait.ge [sflag:s16], $0x200  }
0x144: {  	[sflag:s16] =	ssyncset.done $0x0  }
0x145: {  	[sflag:s16] =	ssyncadd.s32 $0xFFFFFE00  }
0x146: {  	[bflag:$0x0] =	sbarrier.arrive $0xFFFF  }
0x147: {  	s4 =	simm.s32 $0x3780;
	s22 =	rddreg [dreg:$0x9]  }
0x148: {  	[tilespmem:s4], [sflag:$0x7] =	stream.linear.gather [spmem:s22], $0x2000, $0x38;
	[tilespmem:$0x18810] =	vst v63  }
0x149: {  	_ =	swait.ge [sflag:s16], $0x2000  }
0x14a: {  	[sflag:s16] =	ssyncset.done $0x0  }
0x14b: {  	s31 =	simm.s32 $0x5780;
	s23 =	rddreg [dreg:$0xa];
	[sflag:s16] =	ssyncadd.s32 $0xFFFFE000  }
0x14c: {  	[tilespmem:s31], [sflag:$0x7] =	stream.linear.gather [spmem:s23], $0x2000, $0x38;
	[tilespmem:$0x18810] =	vst v63  }
0x14d: {  	_ =	swait.ge [sflag:s16], $0x2000  }
0x14e: {  	[sflag:s16] =	ssyncset.done $0x0  }
0x14f: {  	s4 =	simm.s32 $0x0;
	[sflag:s16] =	ssyncadd.s32 $0xFFFFE000  }
0x150: {  	v13 =	vld [tilespmem:s4+$0x3780];
	_ =	sdelay $0x4  }
0x151: {  	v14 =	vand.u32 $0xFFFFFF, v13  }
0x152: {  	v15 =	vshrl.u32 v14, $0xC  }
0x153: {  	vm2 =	vge.u32 v15, v1;
	vm3 =	vlt.u32 v15, v2  }
0x154: {  	vm2 =	vmand vm2, vm3;
	vm3 =	vne.s32 v13, $0xFFFFFFFF  }
0x155: {  	vm2 =	vmand vm3, vm2  }
0x156: {  	v15 =	vsel vm2, $0x1, v4  }
0x157: {  	(xrf0) =	vadd.scan.msk.s32 $0xffff, v15;
	_ =	sdelay $0x5  }
0x158: {  	v15, _, _ =	vpop (xrf0)  }
0x159: {  	s8 =	simm.s32 $0x0;
	p0 =	por $0x1, $0x1;
	v61 =	vxor.u32 $0x80000000, v15  }
0x15a: {  	s8 =	simm.s32 @!p0 $0x7F0;
	(xrf0) =	vmax.scan.msk.u32 $0xffff, v61  }
0x15b: {  	v62 =	vmov s8  }
0x15c: {  	v16 =	vadd.s32 $0xFFFFFFFF, v62  }
0x15d: {  	v16 =	vbroadcast v16, $0x0;
	_ =	sdelay $0x1  }
0x15e: {  	v15 =	vadd.s32 v15, v16  }
0x15f: {  	v15 =	vsel vm2, v15, v11;
	v63, _, _ =	vpop (xrf0)  }
0x160: {  	(v2sf) =	vpush v63, $0xF;
	_ =	sdelay $0x1  }
0x161: {  	v14 =	vsub.s32 v14, v3;
	v13 =	vand.u32 $0x1000000, v13  }
0x162: {  	v13 =	vor.u32 v13, v14  }
0x163: {  	s0 =	simm.s32 $0x10;
	[tilespmem:v15+s24+$0x0] =	vst.idx.msk $0xffff, v13  }
0x164: {  	v13 =	vld [tilespmem:s0+$0x3780];
	_ =	sdelay $0x4  }
0x165: {  	v14 =	vand.u32 $0xFFFFFF, v13  }
0x166: {  	v15 =	vshrl.u32 v14, $0xC  }
0x167: {  	vm2 =	vge.u32 v15, v1;
	vm3 =	vlt.u32 v15, v2  }
0x168: {  	vm2 =	vmand vm2, vm3;
	vm3 =	vne.s32 v13, $0xFFFFFFFF  }
0x169: {  	vm2 =	vmand vm3, vm2  }
0x16a: {  	v15 =	vsel vm2, $0x1, v4;
	s9 =	spop (v2sf)  }
0x16b: {  	(xrf0) =	vadd.scan.msk.s32 $0xffff, v15;
	s8 =	sadd.s32 s9, s8  }
0x16c: {  	s22 =	sadd.s32 $0x80000000, s8  }
0x16d: {  	v14 =	vsub.s32 v14, v3;
	s8 =	simm.s32 $0x80;
	p1 =	slt.s32 s22, $0x800  }
.LBB2_18:
0x16e: {  	p0 =	sne.s32 s8, $0x7FC0  }
0x16f: {  	s22 =	simm.s32 @!p1 $0x800;
	s9 =	smov.u32 s8;
	s8 =	sadd.s32 $0x40, s8  }
0x170: {  	p1 =	slt.s32 s22, $0x7F0  }
0x171: {  	v15, _, _ =	vpop (xrf0)  }
0x172: {  	s22 =	simm.s32 @!p1 $0x7F0;
	v16 =	vxor.u32 $0x80000000, v15  }
0x173: {  	v17 =	vmov s22;
	(xrf0) =	vmax.scan.msk.u32 $0xffff, v16  }
0x174: {  	v16 =	vadd.s32 $0xFFFFFFFF, v17  }
0x175: {  	v16 =	vbroadcast v16, $0x0;
	_ =	sdelay $0x1  }
0x176: {  	v15 =	vadd.s32 v15, v16  }
0x177: {  	v15 =	vsel vm2, v15, v11  }
0x178: {  	v16, _, _ =	vpop (xrf0)  }
0x179: {  	(v2sf) =	vpush v16, $0xF  }
0x17a: {  	v13 =	vand.u32 $0x1000000, v13  }
0x17b: {  	v13 =	vor.u32 v13, v14  }
0x17c: {  	s9 =	sshra.s32 s9, $0x2;
	[tilespmem:v15+s24+$0x0] =	vst.idx.msk $0xffff, v13  }
0x17d: {  	v13 =	vld [tilespmem:s9+$0x3780];
	_ =	sdelay $0x4  }
0x17e: {  	v14 =	vand.u32 $0xFFFFFF, v13  }
0x17f: {  	v15 =	vshrl.u32 v14, $0xC;
	v14 =	vsub.s32 v14, v3  }
0x180: {  	vm2 =	vge.u32 v15, v1;
	vm3 =	vlt.u32 v15, v2  }
0x181: {  	vm2 =	vmand vm2, vm3;
	vm3 =	vne.s32 v13, $0xFFFFFFFF  }
0x182: {  	vm2 =	vmand vm3, vm2  }
.Ltmp10:
0x183: {  	v15 =	vsel vm2, $0x1, v4;
	(pc) =	sbr.rel @p0 .LBB2_18-.Ltmp10, $4  }
0x184: {  	(xrf0) =	vadd.scan.msk.s32 $0xffff, v15;
	s9 =	spop (v2sf)  }
0x185: {  	s9 =	sadd.s32 s9, s22  }
0x186: {  	s22 =	sadd.s32 $0x80000000, s9  }
0x187: {  	p1 =	slt.s32 s22, $0x800  }
0x188: {  	s22 =	simm.s32 @!p1 $0x800  }
0x189: {  	p0 =	slt.s32 s22, $0x7F0  }
0x18a: {  	s22 =	simm.s32 @!p0 $0x7F0  }
0x18b: {  	v16, _, _ =	vpop (xrf0);
	v15 =	vmov s22  }
0x18c: {  	v17 =	vxor.u32 $0x80000000, v16;
	v15 =	vadd.s32 $0xFFFFFFFF, v15  }
0x18d: {  	(xrf0) =	vmax.scan.msk.u32 $0xffff, v17;
	v15 =	vbroadcast v15, $0x0;
	_ =	sdelay $0x1  }
0x18e: {  	v15 =	vadd.s32 v16, v15  }
0x18f: {  	v15 =	vsel vm2, v15, v11;
	_ =	sdelay $0x1  }
0x190: {  	v13 =	vand.u32 $0x1000000, v13  }
0x191: {  	v13 =	vor.u32 v13, v14;
	v14, _, _ =	vpop (xrf0)  }
0x192: {  	(v2sf) =	vpush v14, $0xF  }
0x193: {  	[tilespmem:v15+s24+$0x0] =	vst.idx.msk $0xffff, v13  }
0x194: {  	v13 =	vld [tilespmem:s4+$0x5780];
	_ =	sdelay $0x4  }
0x195: {  	v14 =	vand.u32 $0xFFFFFF, v13  }
0x196: {  	v15 =	vshrl.u32 v14, $0xC  }
0x197: {  	vm2 =	vge.u32 v15, v1;
	vm3 =	vlt.u32 v15, v2  }
0x198: {  	vm2 =	vmand vm2, vm3;
	vm3 =	vne.s32 v13, $0xFFFFFFFF  }
0x199: {  	vm2 =	vmand vm3, vm2  }
0x19a: {  	v15 =	vsel vm2, $0x1, v4  }
0x19b: {  	(xrf0) =	vadd.scan.msk.s32 $0xffff, v15;
	_ =	sdelay $0x1  }
0x19c: {  	s23 =	spop (v2sf)  }
0x19d: {  	s4 =	sadd.s32 s23, s22  }
0x19e: {  	s4 =	sadd.s32 $0x80000000, s4  }
0x19f: {  	p0 =	slt.s32 s4, $0x800  }
0x1a0: {  	s4 =	simm.s32 @!p0 $0x800;
	v15, _, _ =	vpop (xrf0)  }
0x1a1: {  	p0 =	slt.s32 s4, $0x7F0;
	v61 =	vxor.u32 $0x80000000, v15  }
0x1a2: {  	s4 =	simm.s32 @!p0 $0x7F0;
	(xrf0) =	vmax.scan.msk.u32 $0xffff, v61  }
0x1a3: {  	v62 =	vmov s4  }
0x1a4: {  	v16 =	vadd.s32 $0xFFFFFFFF, v62  }
0x1a5: {  	v16 =	vbroadcast v16, $0x0;
	_ =	sdelay $0x1  }
0x1a6: {  	v15 =	vadd.s32 v15, v16  }
0x1a7: {  	v15 =	vsel vm2, v15, v11;
	v63, _, _ =	vpop (xrf0)  }
0x1a8: {  	(v2sf) =	vpush v63, $0xF;
	_ =	sdelay $0x1  }
0x1a9: {  	v14 =	vsub.s32 v14, v3;
	v13 =	vand.u32 $0x1000000, v13  }
0x1aa: {  	v13 =	vor.u32 v13, v14  }
0x1ab: {  	[tilespmem:v15+s24+$0x0] =	vst.idx.msk $0xffff, v13  }
0x1ac: {  	v13 =	vld [tilespmem:s0+$0x5780];
	_ =	sdelay $0x4  }
0x1ad: {  	v14 =	vand.u32 $0xFFFFFF, v13  }
0x1ae: {  	v15 =	vshrl.u32 v14, $0xC  }
0x1af: {  	vm2 =	vge.u32 v15, v1;
	vm3 =	vlt.u32 v15, v2  }
0x1b0: {  	vm2 =	vmand vm2, vm3;
	vm3 =	vne.s32 v13, $0xFFFFFFFF  }
0x1b1: {  	vm2 =	vmand vm3, vm2  }
0x1b2: {  	v15 =	vsel vm2, $0x1, v4;
	s31 =	spop (v2sf)  }
0x1b3: {  	(xrf0) =	vadd.scan.msk.s32 $0xffff, v15;
	s0 =	sadd.s32 s31, s4  }
0x1b4: {  	s0 =	sadd.s32 $0x80000000, s0  }
0x1b5: {  	v14 =	vsub.s32 v14, v3;
	s4 =	simm.s32 $0x80;
	p1 =	slt.s32 s0, $0x800  }
.LBB2_20:
0x1b6: {  	p0 =	sne.s32 s4, $0x7FC0  }
0x1b7: {  	s0 =	simm.s32 @!p1 $0x800;
	s8 =	smov.u32 s4;
	s4 =	sadd.s32 $0x40, s4  }
0x1b8: {  	p1 =	slt.s32 s0, $0x7F0  }
0x1b9: {  	v15, _, _ =	vpop (xrf0)  }
0x1ba: {  	s0 =	simm.s32 @!p1 $0x7F0;
	v16 =	vxor.u32 $0x80000000, v15  }
0x1bb: {  	v17 =	vmov s0;
	(xrf0) =	vmax.scan.msk.u32 $0xffff, v16  }
0x1bc: {  	v16 =	vadd.s32 $0xFFFFFFFF, v17  }
0x1bd: {  	v16 =	vbroadcast v16, $0x0;
	_ =	sdelay $0x1  }
0x1be: {  	v15 =	vadd.s32 v15, v16  }
0x1bf: {  	v15 =	vsel vm2, v15, v11  }
0x1c0: {  	v16, _, _ =	vpop (xrf0)  }
0x1c1: {  	(v2sf) =	vpush v16, $0xF  }
0x1c2: {  	v13 =	vand.u32 $0x1000000, v13  }
0x1c3: {  	v13 =	vor.u32 v13, v14  }
0x1c4: {  	s8 =	sshra.s32 s8, $0x2;
	[tilespmem:v15+s24+$0x0] =	vst.idx.msk $0xffff, v13  }
0x1c5: {  	v13 =	vld [tilespmem:s8+$0x5780];
	_ =	sdelay $0x4  }
0x1c6: {  	v14 =	vand.u32 $0xFFFFFF, v13  }
0x1c7: {  	v15 =	vshrl.u32 v14, $0xC;
	v14 =	vsub.s32 v14, v3  }
0x1c8: {  	vm2 =	vge.u32 v15, v1;
	vm3 =	vlt.u32 v15, v2  }
0x1c9: {  	vm2 =	vmand vm2, vm3;
	vm3 =	vne.s32 v13, $0xFFFFFFFF  }
0x1ca: {  	vm2 =	vmand vm3, vm2  }
.Ltmp11:
0x1cb: {  	v15 =	vsel vm2, $0x1, v4;
	(pc) =	sbr.rel @p0 .LBB2_20-.Ltmp11, $4  }
0x1cc: {  	(xrf0) =	vadd.scan.msk.s32 $0xffff, v15;
	s8 =	spop (v2sf)  }
0x1cd: {  	s0 =	sadd.s32 s8, s0  }
0x1ce: {  	s0 =	sadd.s32 $0x80000000, s0  }
0x1cf: {  	p1 =	slt.s32 s0, $0x800  }
0x1d0: {  	_ =	sdelay $0x1  }
0x1d1: {  	v15, _, _ =	vpop (xrf0)  }
0x1d2: {  	v16 =	vxor.u32 $0x80000000, v15  }
0x1d3: {  	(xrf0) =	vmax.scan.msk.u32 $0xffff, v16;
	_ =	sdelay $0x5  }
0x1d4: {  	v16, _, _ =	vpop (xrf0)  }
0x1d5: {  	(v2sf) =	vpush v16, $0xF;
	_ =	sdelay $0xc  }
0x1d6: {  	s0 =	simm.s32 @!p1 $0x800  }
0x1d7: {  	p0 =	slt.s32 s0, $0x7F0  }
0x1d8: {  	s0 =	simm.s32 @!p0 $0x7F0;
	s4 =	spop (v2sf)  }
0x1d9: {  	v63 =	vmov s0;
	s0 =	sadd.s32 s4, s0  }
0x1da: {  	v16 =	vadd.s32 $0xFFFFFFFF, v63;
	s0 =	sadd.s32 $0x80000000, s0  }
0x1db: {  	v16 =	vbroadcast v16, $0x0;
	p0 =	slt.s32 s0, $0x800  }
0x1dc: {  	p5 =	slt.s32 s0, $0xFFFFFFF2;
	s0 =	simm.s32 @!p0 $0x800  }
0x1dd: {  	v15 =	vadd.s32 v15, v16;
	s22 =	sadd.s32 $0xF, s0  }
0x1de: {  	v15 =	vsel vm2, v15, v11;
	s8 =	sand.u32 $0xF, s22  }
0x1df: {  	s23 =	sshra.s32 s22, $0x1F;
	p6 =	sne.s32 s8, $0x0  }
.Ltmp12:
0x1e0: {  	s8 =	sshrl.u32 s23, $0x1C;
	p0 =	por !p5, !p6;
	(pc) =	sbr.rel .LBB2_22-.Ltmp12, $4  }
0x1e1: {  	v13 =	vand.u32 $0x1000000, v13;
	s4 =	sadd.s32 s8, s22;
	s8 =	simm.s32 $0x1;
	p0 =	por !p0, !p0  }
0x1e2: {  	v13 =	vor.u32 v13, v14;
	s4 =	sshra.s32 s4, $0x4;
	s8 =	simm.s32 @!p0 $0x0  }
0x1e3: {  	[tilespmem:v15+s24+$0x0] =	vst.idx.msk $0xffff, v13;
	s31 =	ssub.s32 s4, s8  }
0x1e4: {  	[tilespmem:s0+$0x7780] =	vst v9;
	s0 =	simm.s32 $0x0;
	p0 =	slt.s32 s31, $0x1  }
.LBB2_52:
0x1e5: {  	s0 =	sadd.s32 $0x1, s0  }
0x1e6: {  	p1 =	sne.s32 s0, $0x20  }
.Ltmp13:
0x1e7: {  	_ = 	snop;
	(pc) =	sbr.rel @!p1 .LBB2_53-.Ltmp13, $1  }
0x1e8: {  	_ =	sdelay $0x3  }
.LBB2_22:
0x1e9: {  	s4 =	smul.u32 $0xAB, s0;
	_ =	sdelay $0x1  }
0x1ea: {  	s4 =	sshrl.u32 s4, $0x9  }
0x1eb: {  	s4 =	sand.u32 $0x7F, s4  }
0x1ec: {  	s4 =	smul.u32 $0x3, s4;
	_ =	sdelay $0x1  }
0x1ed: {  	s8 =	ssub.s32 s0, s4  }
0x1ee: {  	s4 =	sand.u32 $0xFF, s8  }
0x1ef: {  	s9 =	simm.s32 $0x2;
	p1 =	seq.s32 s4, $0x1  }
.Ltmp14:
0x1f0: {  	p2 =	seq.s32 s4, $0x0;
	s9 =	simm.s32 @!p1 $0x3;
	(pc) =	sbr.rel @p0 .LBB2_26-.Ltmp14, $4  }
0x1f1: {  	s9 =	simm.s32 @p2 $0x1  }
0x1f2: {  	_ =	swait.ge [sflag:s9], $0x4000  }
0x1f3: {  	[sflag:s9] =	ssyncset.done $0x0  }
0x1f4: {  	[sflag:s9] =	ssyncadd.s32 $0xFFFFC000  }
0x1f5: {  	p2 =	sne.s32 s31, $0x1  }
.Ltmp15:
0x1f6: {  	_ = 	snop;
	(pc) =	sbr.rel @!p2 .LBB2_25-.Ltmp15, $4  }
0x1f7: {  	_ = 	snop  }
0x1f8: {  	s8 =	sshll.u32 s8, $0x2  }
0x1f9: {  	s9 =	sshll.u32 s0, $0xE;
	s10 =	sand.u32 $0xFC, s8;
	s8 =	simm.s32 $0x7780  }
0x1fa: {  	v15 =	vmov s9;
	s9 =	sadd.s32 $0xFFFFFFFF, s31;
	v14 =	vmov s10;
	v13 =	vld [tilespmem:s8+$0x0]  }
.LBB2_24:
0x1fb: {  	p2 =	sne.s32 s9, $0x1;
	_ =	sdelay $0x3  }
0x1fc: {  	v16 =	vand.u32 $0xFFFFFF, v13  }
0x1fd: {  	v16 =	vsub.s32 v16, v15  }
0x1fe: {  	vm3 =	vne.s32 v13, $0xFFFFFFFF;
	vm2 =	vlt.u32 v16, $0x4000  }
0x1ff: {  	v17 =	vand.u32 $0xFFF, v13;
	v16 =	vshra.s32 v16, $0xC;
	vm2 =	vmand vm3, vm2  }
0x200: {  	v16 =	vadd.s32 v14, v16;
	v17 =	vsel vm2, v17, v0  }
0x201: {  	v16 =	vnsel vm2, $0xC, v16;
	v18 =	vshll.u32 v17, $0x3  }
0x202: {  	v17 =	vand.u32 $0x7F, v17;
	v19 =	vshll.u32 v16, $0xC;
	v18 =	vand.u32 $0x7C00, v18  }
0x203: {  	v16 =	vshll.u32 v16, $0x7;
	v19 =	vand.u32 $0xFFFF8000, v19;
	v17 =	vor.u32 v17, v18  }
0x204: {  	v16 =	vand.u32 $0x380, v16;
	v17 =	vor.u32 v19, v17  }
0x205: {  	v16 =	vor.u32 v16, v17;
	_ =	sdelay $0x1  }
.Ltmp16:
0x206: {  	v13 =	vand.u32 $0x1000000, v13;
	(pc) =	sbr.rel @p2 .LBB2_24-.Ltmp16, $4  }
0x207: {  	vm2 =	veq.s32 v13, $0x0  }
0x208: {  	v13 =	vsel vm2, $0x0, v12  }
0x209: {  	s8 =	sadd.s32 $0x10, s8;
	[tilespmem:v16+s25+$0x0] =	vst.idx.msk $0xffff, v13  }
0x20a: {  	s9 =	sadd.s32 $0xFFFFFFFF, s9;
	v13 =	vld [tilespmem:s8+$0x0]  }
.LBB2_25:
0x20b: {  	_ =	sdelay $0x3  }
0x20c: {  	v16 =	vand.u32 $0xFFFFFF, v13  }
0x20d: {  	v15 =	vsub.s32 v16, v15  }
0x20e: {  	vm3 =	vne.s32 v13, $0xFFFFFFFF;
	vm2 =	vlt.u32 v15, $0x4000  }
0x20f: {  	v63 =	vand.u32 $0xFFF, v13;
	v15 =	vshra.s32 v15, $0xC;
	vm2 =	vmand vm3, vm2  }
0x210: {  	v14 =	vadd.s32 v14, v15;
	v15 =	vsel vm2, v63, v0  }
0x211: {  	v14 =	vnsel vm2, $0xC, v14;
	v16 =	vshll.u32 v15, $0x3  }
0x212: {  	v15 =	vand.u32 $0x7F, v15;
	v17 =	vshll.u32 v14, $0xC;
	v16 =	vand.u32 $0x7C00, v16  }
0x213: {  	v14 =	vshll.u32 v14, $0x7;
	v17 =	vand.u32 $0xFFFF8000, v17;
	v15 =	vor.u32 v15, v16  }
0x214: {  	v14 =	vand.u32 $0x380, v14;
	v15 =	vor.u32 v17, v15  }
0x215: {  	v14 =	vor.u32 v14, v15;
	_ =	sdelay $0x1  }
0x216: {  	v13 =	vand.u32 $0x1000000, v13  }
0x217: {  	vm2 =	veq.s32 v13, $0x0  }
0x218: {  	v13 =	vsel vm2, $0x0, v12  }
0x219: {  	[tilespmem:v14+s25+$0x0] =	vst.idx.msk $0xffff, v13  }
.LBB2_26:
.Ltmp17:
0x21a: {  	(pc) =	sbr.rel @p1 .LBB2_31-.Ltmp17, $1  }
0x21b: {  	_ =	sdelay $0x3  }
0x21c: {  	p1 =	sne.s32 s4, $0x0  }
.Ltmp18:
0x21d: {  	_ = 	snop;
	(pc) =	sbr.rel @p1 .LBB2_34-.Ltmp18, $1  }
0x21e: {  	_ =	sdelay $0x3  }
0x21f: {  	s8 =	sshll.u32 s0, $0xB;
	s9 =	sshll.u32 s0, $0x6  }
0x220: {  	s8 =	sand.u32 $0xF000, s8;
	s9 =	sand.u32 $0x40, s9  }
0x221: {  	s8 =	sor.u32 s9, s8  }
0x222: {  	s10 =	simm.s32 $0x80;
	s8 =	sadd.s32 s8, s14  }
0x223: {  	s22 =	simm.s32 $0x8400;
	s9 =	simm.s32 $0x8000;
	s23 =	sadd.s32 $0x0, s8  }
.LBB2_29:
0x224: {  	[hbm4b:s23+s3] =	stream.linear.scatter [tilespmem:s9], [sflag:$0x4], $0x200, $0x38;
	[tilespmem:$0x18810] =	vst v63  }
0x225: {  	s11 =	smov.u32 s10;
	s9 =	smov.u32 s22;
	p1 =	sne.s32 s10, $0xF80  }
.Ltmp19:
0x226: {  	s10 =	sadd.s32 $0x80, s10;
	(pc) =	sbr.rel @p1 .LBB2_29-.Ltmp19, $2  }
0x227: {  	_ =	sdelay $0x2  }
0x228: {  	s22 =	sadd.s32 $0x400, s22;
	s23 =	sadd.s32 s11, s8  }
0x229: {  	p1 =	sne.s32 s4, $0x1  }
.Ltmp20:
0x22a: {  	_ = 	snop;
	(pc) =	sbr.rel @p1 .LBB2_34-.Ltmp20, $2  }
0x22b: {  	_ =	sdelay $0x2  }
0x22c: {  	[hbm4b:s23+s3] =	stream.linear.scatter [tilespmem:s9], [sflag:$0x4], $0x200, $0x38;
	[tilespmem:$0x18810] =	vst v63  }
.LBB2_31:
0x22d: {  	s8 =	sshll.u32 s0, $0xB;
	s9 =	sshll.u32 s0, $0x6  }
0x22e: {  	s8 =	sand.u32 $0xF000, s8;
	s9 =	sand.u32 $0x40, s9  }
0x22f: {  	s8 =	sor.u32 s9, s8  }
0x230: {  	s10 =	simm.s32 $0x80;
	s8 =	sadd.s32 s8, s14  }
0x231: {  	s22 =	simm.s32 $0x8600;
	s9 =	simm.s32 $0x8200;
	s23 =	sadd.s32 $0x0, s8  }
.LBB2_32:
0x232: {  	[hbm4b:s23+s3] =	stream.linear.scatter [tilespmem:s9], [sflag:$0x5], $0x200, $0x38;
	[tilespmem:$0x18810] =	vst v63  }
0x233: {  	s11 =	smov.u32 s10;
	s9 =	smov.u32 s22;
	p1 =	sne.s32 s10, $0xF80  }
.Ltmp21:
0x234: {  	s10 =	sadd.s32 $0x80, s10;
	(pc) =	sbr.rel @p1 .LBB2_32-.Ltmp21, $2  }
0x235: {  	_ =	sdelay $0x2  }
0x236: {  	s22 =	sadd.s32 $0x400, s22;
	s23 =	sadd.s32 s11, s8  }
0x237: {  	[hbm4b:s23+s3] =	stream.linear.scatter [tilespmem:s9], [sflag:$0x5], $0x200, $0x38;
	[tilespmem:$0x18810] =	vst v63  }
.LBB2_34:
0x238: {  	p1 =	slt.u32 s4, $0x2  }
.Ltmp22:
0x239: {  	_ = 	snop;
	(pc) =	sbr.rel @p1 .LBB2_38-.Ltmp22, $1  }
0x23a: {  	_ =	sdelay $0x3  }
0x23b: {  	s4 =	sshll.u32 s0, $0xB;
	s8 =	sshll.u32 s0, $0x6  }
0x23c: {  	s4 =	sand.u32 $0xF000, s4;
	s8 =	sand.u32 $0x40, s8  }
0x23d: {  	s4 =	sor.u32 s8, s4  }
0x23e: {  	s9 =	simm.s32 $0x80;
	s4 =	sadd.s32 s4, s14  }
0x23f: {  	s10 =	simm.s32 $0x10400;
	s8 =	simm.s32 $0x10000;
	s22 =	sadd.s32 $0x0, s4  }
.LBB2_36:
0x240: {  	[hbm4b:s22+s3] =	stream.linear.scatter [tilespmem:s8], [sflag:$0x6], $0x200, $0x38;
	[tilespmem:$0x18810] =	vst v63  }
0x241: {  	s11 =	smov.u32 s9;
	s8 =	smov.u32 s10;
	p1 =	sne.s32 s9, $0xF80  }
.Ltmp23:
0x242: {  	s9 =	sadd.s32 $0x80, s9;
	(pc) =	sbr.rel @p1 .LBB2_36-.Ltmp23, $2  }
0x243: {  	_ =	sdelay $0x2  }
0x244: {  	s10 =	sadd.s32 $0x400, s10;
	s22 =	sadd.s32 s11, s4  }
0x245: {  	[hbm4b:s22+s3] =	stream.linear.scatter [tilespmem:s8], [sflag:$0x6], $0x200, $0x38;
	[tilespmem:$0x18810] =	vst v63  }
.LBB2_38:
0x246: {  	p1 =	sgt.u32 s0, $0x1D  }
.Ltmp24:
0x247: {  	_ = 	snop;
	(pc) =	sbr.rel @p1 .LBB2_52-.Ltmp24, $1  }
0x248: {  	_ =	sdelay $0x3  }
0x249: {  	p1 =	seq.s32 s0, $0x0  }
.Ltmp25:
0x24a: {  	_ = 	snop;
	(pc) =	sbr.rel @p1 .LBB2_43-.Ltmp25, $2  }
0x24b: {  	_ =	sdelay $0x2  }
0x24c: {  	s4 =	sadd.s32 $0x2, s0  }
0x24d: {  	s8 =	smulhi.u32 $0xAAAAAAAB, s4;
	_ =	sdelay $0x1  }
0x24e: {  	s8 =	sshrl.u32 s8, $0x1  }
0x24f: {  	s8 =	smul.u32 $0x3, s8;
	_ =	sdelay $0x1  }
0x250: {  	s8 =	ssub.s32 s4, s8  }
0x251: {  	p1 =	seq.s32 s8, $0x0  }
.Ltmp26:
0x252: {  	_ = 	snop;
	(pc) =	sbr.rel @p1 .LBB2_46-.Ltmp26, $1  }
0x253: {  	_ =	sdelay $0x3  }
0x254: {  	p1 =	seq.s32 s8, $0x1  }
.Ltmp27:
0x255: {  	_ = 	snop;
	(pc) =	sbr.rel @!p1 .LBB2_42-.Ltmp27, $1  }
0x256: {  	_ =	sdelay $0x3  }
0x257: {  	s8 =	sshll.u32 s0, $0x6;
	s4 =	sshll.u32 s4, $0xB  }
0x258: {  	_ =	swait.ge [sflag:s28], $0x4000;
	s8 =	sand.u32 $0x40, s8;
	s4 =	sadd.s32 s5, s4  }
0x259: {  	s9 =	simm.s32 $0x80;
	s8 =	sadd.s32 s1, s8;
	s4 =	sand.u32 $0x3FF000, s4  }
0x25a: {  	s10 =	simm.s32 $0x8600;
	[sflag:s28] =	ssyncset.done $0x0;
	s4 =	sadd.s32 s4, s8  }
0x25b: {  	[sflag:s28] =	ssyncadd.s32 $0xFFFFC000;
	s8 =	simm.s32 $0x8200;
	s22 =	sadd.s32 $0x0, s4  }
.LBB2_50:
0x25c: {  	[tilespmem:s8], [sflag:$0x2] =	stream.linear.gather [hbm4b:s22+s3], $0x200, $0x38;
	[tilespmem:$0x18810] =	vst v63  }
0x25d: {  	s11 =	smov.u32 s9;
	s8 =	smov.u32 s10;
	p1 =	seq.s32 s9, $0xF80  }
.Ltmp28:
0x25e: {  	s9 =	sadd.s32 $0x80, s9;
	(pc) =	sbr.rel @!p1 .LBB2_50-.Ltmp28, $2  }
0x25f: {  	_ =	sdelay $0x2  }
0x260: {  	s10 =	sadd.s32 $0x400, s10;
	s22 =	sadd.s32 s11, s4  }
.Ltmp29:
0x261: {  	(pc) =	sbr.rel .LBB2_52-.Ltmp29, $2  }
0x262: {  	_ =	sdelay $0x2  }
0x263: {  	[tilespmem:s8], [sflag:$0x2] =	stream.linear.gather [hbm4b:s22+s3], $0x200, $0x38;
	[tilespmem:$0x18810] =	vst v63  }
.LBB2_46:
0x264: {  	s4 =	sshll.u32 s4, $0xB;
	s8 =	sshll.u32 s0, $0x6  }
0x265: {  	_ =	swait.ge [sflag:s26], $0x4000;
	s4 =	sadd.s32 s5, s4;
	s8 =	sand.u32 $0x40, s8  }
0x266: {  	s9 =	simm.s32 $0x80;
	s4 =	sand.u32 $0x3FF000, s4;
	s8 =	sadd.s32 s1, s8  }
0x267: {  	s10 =	simm.s32 $0x8400;
	[sflag:s26] =	ssyncset.done $0x0;
	s4 =	sadd.s32 s4, s8  }
0x268: {  	[sflag:s26] =	ssyncadd.s32 $0xFFFFC000;
	s8 =	simm.s32 $0x8000;
	s22 =	sadd.s32 $0x0, s4  }
.LBB2_47:
0x269: {  	[tilespmem:s8], [sflag:$0x1] =	stream.linear.gather [hbm4b:s22+s3], $0x200, $0x38;
	[tilespmem:$0x18810] =	vst v63  }
0x26a: {  	s11 =	smov.u32 s9;
	s8 =	smov.u32 s10;
	p1 =	seq.s32 s9, $0xF80  }
.Ltmp30:
0x26b: {  	s9 =	sadd.s32 $0x80, s9;
	(pc) =	sbr.rel @!p1 .LBB2_47-.Ltmp30, $2  }
0x26c: {  	_ =	sdelay $0x2  }
0x26d: {  	s10 =	sadd.s32 $0x400, s10;
	s22 =	sadd.s32 s11, s4  }
.Ltmp31:
0x26e: {  	(pc) =	sbr.rel .LBB2_52-.Ltmp31, $2  }
0x26f: {  	_ =	sdelay $0x2  }
0x270: {  	[tilespmem:s8], [sflag:$0x1] =	stream.linear.gather [hbm4b:s22+s3], $0x200, $0x38;
	[tilespmem:$0x18810] =	vst v63  }
.LBB2_42:
0x271: {  	_ =	swait.ge [sflag:s29], $0x4000  }
0x272: {  	[sflag:s29] =	ssyncset.done $0x0  }
0x273: {  	[sflag:s29] =	ssyncadd.s32 $0xFFFFC000  }
.LBB2_43:
0x274: {  	s4 =	sshll.u32 s4, $0xB;
	s8 =	sshll.u32 s0, $0x6  }
0x275: {  	s4 =	sadd.s32 s5, s4;
	s8 =	sand.u32 $0x40, s8  }
0x276: {  	s4 =	sand.u32 $0x3FF000, s4;
	s8 =	sadd.s32 s1, s8  }
0x277: {  	s9 =	simm.s32 $0x80;
	s4 =	sadd.s32 s4, s8  }
0x278: {  	s10 =	simm.s32 $0x10400;
	s8 =	simm.s32 $0x10000;
	s22 =	sadd.s32 $0x0, s4  }
.LBB2_44:
0x279: {  	[tilespmem:s8], [sflag:$0x3] =	stream.linear.gather [hbm4b:s22+s3], $0x200, $0x38;
	[tilespmem:$0x18810] =	vst v63  }
0x27a: {  	s11 =	smov.u32 s9;
	s8 =	smov.u32 s10;
	p1 =	seq.s32 s9, $0xF80  }
.Ltmp32:
0x27b: {  	s9 =	sadd.s32 $0x80, s9;
	(pc) =	sbr.rel @!p1 .LBB2_44-.Ltmp32, $2  }
0x27c: {  	_ =	sdelay $0x2  }
0x27d: {  	s10 =	sadd.s32 $0x400, s10;
	s22 =	sadd.s32 s11, s4  }
.Ltmp33:
0x27e: {  	(pc) =	sbr.rel .LBB2_52-.Ltmp33, $2  }
0x27f: {  	_ =	sdelay $0x2  }
0x280: {  	[tilespmem:s8], [sflag:$0x3] =	stream.linear.gather [hbm4b:s22+s3], $0x200, $0x38;
	[tilespmem:$0x18810] =	vst v63  }
.LBB2_54:
0x281: {  	_ =	sfence.sel $0x180000  }
0x282: {  	[bflag:$0x0] =	sbarrier.arrive $0xFFFF  }
0x283: {  	_ =	strace $0x90000047  }
0x284: {  	s0 =	stileid.u32;
	[bflag:$0x2] =	sbarrier.arrive $0xFFFF  }
0x285: {  	p0 =	sne.s32 s0, $0x0;
	s0 =	rddreg [dreg:$0x4]  }
0x286: {  	s0 =	sadd.s32 @!p0 $0x100000, s0  }
0x287: {  	[sflag:s0] =	ssyncadd.tile.s32 @!p0 $0x1;
	_ =	shalt  }
.Lfunc_end2:
_tile_overlayer_lowered:
.L_overlay_start_2:
0x288: {  	(tag) =	ssettag $0x2  }
0x289: {  	s0 =	rddreg [dreg:$0x0];
	s2 =	stileid.u32  }
0x28a: {  	s1 =	rddreg [dreg:$0x1];
	p0 =	sne.s32 s2, $0x0  }
0x28b: {  	s3 =	rddreg [dreg:$0x2];
	[bflag:$0x3] =	sbarrier.arrive $0xFFFF;
	s2 =	simm.s32 @!p0 $0x1C07  }
0x28c: {  	[timem:s3], [sflag:s2] =	dma.local @!p0 [hbm:s0], s1  }
0x28d: {  	s0 =	simm.s32 @!p0 $0x7  }
0x28e: {  	_ =	swait.ge @!p0 [sflag:s0], s1  }
0x28f: {  	s1 =	ssub.s32 @!p0 $0x0, s1;
	[sflag:s0] =	ssyncset.done @!p0 $0x0  }
0x290: {  	[sflag:s0] =	ssyncadd.s32 @!p0 s1  }
0x291: {  	[bflag:$0x3] =	sbarrier.arrive $0xFFFF  }
0x292: {  	_ =	shalt  }

</sc_bundles>
